<compile_context>
chip_gen: v7x
topology: tpu7x:2x2x1
jax: 0.10.2.dev20260603
libtpu: 0.0.44.dev20260713+nightly
codegen_flags: <defaults>
</compile_context>

<pallas_src>
import jax
import jax.numpy as jnp
from jax import lax
from jax.experimental import pallas as pl
from jax.experimental.pallas import tpu as pltpu
from jax.experimental.pallas import tpu_sc as plsc

_NC, _NS, _L = 2, 16, 16
_NW = _NC * _NS
_B, _N = 16, 2048
_TOK_W = (_B * _N) // _NW
_CHUNK = 64
_NCHUNK = _TOK_W // _CHUNK
_D = 256
_PER_CHUNK = _CHUNK // _L


def _sc_body(shift_hbm, dur_hbm, pos_hbm, pe_hbm, out_hbm,
             shift_v, dur_v, pos_v, idx_v, rows0, rows1,
             gsa0, gsb0, gsa1, gsb1, wsem0, wsem1):
    wid = lax.axis_index("s") * _NC + lax.axis_index("c")
    b = wid // 2
    half = wid % 2

    c_sh = pltpu.async_copy(shift_hbm, shift_v, gsa0)
    c_du = pltpu.async_copy(dur_hbm, dur_v, gsb0)
    c_po = pltpu.async_copy(pos_hbm.at[b, pl.ds(half * _TOK_W, _TOK_W)],
                            pos_v, gsa1)
    c_sh.wait()
    c_du.wait()
    c_po.wait()

    bvec = jnp.full((_L,), b, jnp.int32)
    shift_b = plsc.load_gather(shift_v, [bvec])
    dur_b = plsc.load_gather(dur_v, [bvec])
    em1 = dur_b - 1

    rows = (rows0, rows1)
    gsa = (gsa0, gsa1)
    gsb = (gsb0, gsb1)
    wsem = (wsem0, wsem1)
    n0 = half * _TOK_W

    def build(i, _):
        p = pos_v[pl.ds(i * _L, _L)]
        s = p + shift_b
        e = em1 - s
        j = i // _PER_CHUNK
        c0 = (i % _PER_CHUNK) * _L
        idx_v[j, pl.ds(c0, _L)] = s
        idx_v[j, pl.ds(_CHUNK + c0, _L)] = e
        return _

    def fire_gathers(j, k):
        ga = pltpu.async_copy(pe_hbm.at[idx_v.at[j, pl.ds(0, _CHUNK)]],
                              rows[k].at[:, pl.ds(0, _D)], gsa[k])
        gb = pltpu.async_copy(pe_hbm.at[idx_v.at[j, pl.ds(_CHUNK, _CHUNK)]],
                              rows[k].at[:, pl.ds(_D, _D)], gsb[k])
        return ga, gb

    def wait_gathers(j, k):
        pltpu.make_async_copy(pe_hbm.at[idx_v.at[j, pl.ds(0, _CHUNK)]],
                              rows[k].at[:, pl.ds(0, _D)], gsa[k]).wait()
        pltpu.make_async_copy(pe_hbm.at[idx_v.at[j, pl.ds(_CHUNK, _CHUNK)]],
                              rows[k].at[:, pl.ds(_D, _D)], gsb[k]).wait()

    def fire_write(j, k):
        return pltpu.async_copy(
            rows[k], out_hbm.at[b, pl.ds(n0 + j * _CHUNK, _CHUNK)], wsem[k])

    def wait_write(j, k):
        pltpu.make_async_copy(
            rows[k], out_hbm.at[b, pl.ds(n0 + j * _CHUNK, _CHUNK)],
            wsem[k]).wait()

    for i in range(_PER_CHUNK):
        build(i, None)
    fire_gathers(0, 0)
    lax.fori_loop(_PER_CHUNK, _TOK_W // _L, build, None, unroll=4)


    def ring(jj, _):
        for t in range(2):
            c = 2 * jj + t
            k = t
            nk = 1 - t
            wait_gathers(c, k)

            @pl.when(c >= 1)
            def _():
                wait_write(c - 1, nk)

            @pl.when(c + 1 < _NCHUNK)
            def _():
                fire_gathers(c + 1, nk)

            fire_write(c, k)
        return _
    lax.fori_loop(0, _NCHUNK // 2, ring, None)

    wait_write(_NCHUNK - 1, 1)


@jax.jit
def kernel(shift_from_start, duration, pos, pe):
    mesh = plsc.VectorSubcoreMesh(
        core_axis_name="c", subcore_axis_name="s",
        num_cores=_NC, num_subcores=_NS)
    f = pl.kernel(
        _sc_body,
        out_type=jax.ShapeDtypeStruct((_B, _N, 2 * _D), jnp.float32),
        mesh=mesh,
        compiler_params=pltpu.CompilerParams(
            needs_layout_passes=False,
            disable_bounds_checks=True,
            disable_semaphore_checks=True),
        scratch_types=[
            pltpu.VMEM((_B,), jnp.int32),
            pltpu.VMEM((_B,), jnp.int32),
            pltpu.VMEM((_TOK_W,), jnp.int32),
            pltpu.VMEM((_NCHUNK, 2 * _CHUNK), jnp.int32),
            pltpu.VMEM((_CHUNK, 2 * _D), jnp.float32),
            pltpu.VMEM((_CHUNK, 2 * _D), jnp.float32),
            pltpu.SemaphoreType.DMA,
            pltpu.SemaphoreType.DMA,
            pltpu.SemaphoreType.DMA,
            pltpu.SemaphoreType.DMA,
            pltpu.SemaphoreType.DMA,
            pltpu.SemaphoreType.DMA,
        ],
    )
    return f(shift_from_start.astype(jnp.int32), duration.astype(jnp.int32),
             pos.astype(jnp.int32), pe)

# --- scband reference (transcript-rebuilt; emitter-appended) ---
"""Pipeline reference for scband-start-end-pos-emb-69896297775428 (READ-ONLY COPY).

The authoritative reference and input builder live on the scoring server;
editing this copy changes nothing except your own understanding.
"""

import math
import jax, jax.numpy as jnp
import numpy as np


def sinusoidal_positional_encoding(length, dim, base=10000.0):
    pe = np.zeros((length, dim), dtype=np.float32)
    n_effective_dim = dim - dim % 2
    position = np.arange(0, length, dtype=np.float32)[:, None]
    div_term = np.exp(np.arange(0, n_effective_dim, 2).astype(np.float32) * (-math.log(base) / n_effective_dim))
    pe[:, 0:n_effective_dim:2] = np.sin(position * div_term)
    pe[:, 1:n_effective_dim:2] = np.cos(position * div_term)
    return jnp.asarray(pe)


def setup_inputs(seed: int = 0):
    key = jax.random.key(seed)
    k1, k2, k3 = jax.random.split(key, 3)
    b, n = 16, 2048
    max_duration, dim = 8192, 512
    shift_from_start = jax.random.randint(k1, (b,), 0, 1024)
    pos = jax.random.randint(k2, (b, n), 0, 2048)
    # offset guarantees duration - 1 - (pos + shift) >= 0 and < max_duration
    duration = 3072 + jax.random.randint(k3, (b,), 0, 5120)
    pe = sinusoidal_positional_encoding(max_duration, dim // 2)
    return {"shift_from_start": shift_from_start, "duration": duration, "pos": pos, "pe": pe}


def reference(shift_from_start, duration, pos, pe):
    pos_from_start = pos + shift_from_start[:, None]            # (b, n)
    pos_from_start_pe = jnp.take(pe, pos_from_start, axis=0)    # (b, n, dim//2)
    pos_from_end = duration[:, None] - 1 - pos_from_start       # (b, n)
    pos_from_end_pe = jnp.take(pe, pos_from_end, axis=0)        # (b, n, dim//2)
    return jnp.concatenate([pos_from_start_pe, pos_from_end_pe], axis=2)

if __name__ == "__main__":
    import jax
    _d = setup_inputs()
    print(jax.jit(kernel)(*tuple(_d.values())))

</pallas_src>

<mosaic_0001>
#map = affine_map<(d0, d1) -> (0)>
#map1 = affine_map<(d0, d1) -> (0, 0)>
#map2 = affine_map<(d0, d1) -> (0, 0, 0)>
module attributes {stable_mosaic.version = 14 : i64} {
  func.func @_sc_body(%arg0: i32, %arg1: i32, %arg2: memref<16xi32, #tpu.memory_space<hbm>>, %arg3: memref<16xi32, #tpu.memory_space<hbm>>, %arg4: memref<16x2048xi32, #tpu.memory_space<hbm>>, %arg5: memref<8192x256xf32, #tpu.memory_space<hbm>>, %arg6: memref<16x2048x512xf32, #tpu.memory_space<hbm>>, %arg7: memref<16xi32, #tpu.memory_space<vmem>>, %arg8: memref<16xi32, #tpu.memory_space<vmem>>, %arg9: memref<1024xi32, #tpu.memory_space<vmem>>, %arg10: memref<16x128xi32, #tpu.memory_space<vmem>>, %arg11: memref<64x512xf32, #tpu.memory_space<vmem>>, %arg12: memref<64x512xf32, #tpu.memory_space<vmem>>, %arg13: memref<!tpu.dma_semaphore, #tpu.memory_space<semaphore_mem>>, %arg14: memref<!tpu.dma_semaphore, #tpu.memory_space<semaphore_mem>>, %arg15: memref<!tpu.dma_semaphore, #tpu.memory_space<semaphore_mem>>, %arg16: memref<!tpu.dma_semaphore, #tpu.memory_space<semaphore_mem>>, %arg17: memref<!tpu.dma_semaphore, #tpu.memory_space<semaphore_mem>>, %arg18: memref<!tpu.dma_semaphore, #tpu.memory_space<semaphore_mem>>) attributes {dimension_semantics = [#tpu.dimension_semantics<core_parallel>, #tpu.dimension_semantics<subcore_parallel>], iteration_bounds = array<i64: 2, 16>, scalar_prefetch = 0 : i64, scratch_operands = 12 : i64, tpu.core_type = #tpu.core_type<sc_vector_subcore>, window_params = [{transform_indices = #map}, {transform_indices = #map}, {transform_indices = #map1}, {transform_indices = #map1}, {transform_indices = #map2}]} {
    %mul3A = arith.constant 2 : i32
    %mul3A_0 = arith.muli %arg1, %mul3A : i32
    %add3A = arith.addi %mul3A_0, %arg0 : i32
    %jit3A = arith.constant 2 : i32
    %div3A = arith.divsi %add3A, %jit3A : i32
    %sign3A = arith.constant 0 : i32
    %sign3A_1 = arith.cmpi sgt, %add3A, %sign3A : i32
    %sign3A_2 = arith.extui %sign3A_1 : i1 to i32
    %sign3A_3 = arith.constant 0 : i32
    %sign3A_4 = arith.cmpi slt, %add3A, %sign3A_3 : i32
    %sign3A_5 = arith.extui %sign3A_4 : i1 to i32
    %sign3A_6 = arith.subi %sign3A_2, %sign3A_5 : i32
    %sign3A_7 = arith.constant 0 : i32
    %sign3A_8 = arith.cmpi sgt, %jit3A, %sign3A_7 : i32
    %sign3A_9 = arith.extui %sign3A_8 : i1 to i32
    %sign3A_10 = arith.constant 0 : i32
    %sign3A_11 = arith.cmpi slt, %jit3A, %sign3A_10 : i32
    %sign3A_12 = arith.extui %sign3A_11 : i1 to i32
    %sign3A_13 = arith.subi %sign3A_9, %sign3A_12 : i32
    %ne3A = arith.cmpi ne, %sign3A_6, %sign3A_13 : i32
    %rem3A = arith.remsi %add3A, %jit3A : i32
    %ne3A_14 = arith.constant 0 : i32
    %ne3A_15 = arith.cmpi ne, %rem3A, %ne3A_14 : i32
    %and3A = arith.andi %ne3A, %ne3A_15 : i1
    %sub3A = arith.constant 1 : i32
    %sub3A_16 = arith.subi %div3A, %sub3A : i32
    %select_n3A = arith.select %and3A, %sub3A_16, %div3A : i32
    %jit3A_17 = arith.constant 2 : i32
    %eq3A = arith.constant 0 : i32
    %eq3A_18 = arith.cmpi eq, %jit3A_17, %eq3A : i32
    %jit3A_19 = arith.constant 1 : i32
    %select_n3A_20 = arith.select %eq3A_18, %jit3A_19, %jit3A_17 : i32
    %rem3A_21 = arith.remsi %add3A, %select_n3A_20 : i32
    %ne3A_22 = arith.constant 0 : i32
    %ne3A_23 = arith.cmpi ne, %rem3A_21, %ne3A_22 : i32
    %lt3A = arith.constant 0 : i32
    %lt3A_24 = arith.cmpi slt, %rem3A_21, %lt3A : i32
    %lt3A_25 = arith.constant 0 : i32
    %lt3A_26 = arith.cmpi slt, %select_n3A_20, %lt3A_25 : i32
    %ne3A_27 = arith.xori %lt3A_24, %lt3A_26 : i1
    %and3A_28 = arith.andi %ne3A_27, %ne3A_23 : i1
    %add3A_29 = arith.addi %rem3A_21, %select_n3A_20 : i32
    %select_n3A_30 = arith.select %and3A_28, %add3A_29, %rem3A_21 : i32
    tpu.enqueue_dma source(%arg2 : memref<16xi32, #tpu.memory_space<hbm>>) target(%arg7 : memref<16xi32, #tpu.memory_space<vmem>>) target_semaphore(%arg13 : memref<!tpu.dma_semaphore, #tpu.memory_space<semaphore_mem>>)
    tpu.enqueue_dma source(%arg3 : memref<16xi32, #tpu.memory_space<hbm>>) target(%arg8 : memref<16xi32, #tpu.memory_space<vmem>>) target_semaphore(%arg14 : memref<!tpu.dma_semaphore, #tpu.memory_space<semaphore_mem>>)
    %mul3A_31 = arith.constant 1024 : i32
    %mul3A_32 = arith.muli %select_n3A_30, %mul3A_31 : i32
    %dma_start3A = tpu.memref_slice %arg4[%select_n3A, %mul3A_32] : memref<16x2048xi32, #tpu.memory_space<hbm>> -> memref<1x1024xi32, #tpu.memory_space<hbm>>
    %dma_start3A_33 = tpu.memref_squeeze %dma_start3A : memref<1x1024xi32, #tpu.memory_space<hbm>> -> memref<1024xi32, #tpu.memory_space<hbm>>
    %dma_start3A_34 = tpu.memref_slice %arg4[%select_n3A, %mul3A_32] : memref<16x2048xi32, #tpu.memory_space<hbm>> -> memref<1x1024xi32, #tpu.memory_space<hbm>>
    %dma_start3A_35 = tpu.memref_squeeze %dma_start3A_34 : memref<1x1024xi32, #tpu.memory_space<hbm>> -> memref<1024xi32, #tpu.memory_space<hbm>>
    tpu.enqueue_dma source(%dma_start3A_35 : memref<1024xi32, #tpu.memory_space<hbm>>) target(%arg9 : memref<1024xi32, #tpu.memory_space<vmem>>) target_semaphore(%arg15 : memref<!tpu.dma_semaphore, #tpu.memory_space<semaphore_mem>>)
    tpu.wait_dma2 semaphore(%arg13 : memref<!tpu.dma_semaphore, #tpu.memory_space<semaphore_mem>>) src(%arg2 : memref<16xi32, #tpu.memory_space<hbm>>) dst(%arg7 : memref<16xi32, #tpu.memory_space<vmem>>)
    tpu.wait_dma2 semaphore(%arg14 : memref<!tpu.dma_semaphore, #tpu.memory_space<semaphore_mem>>) src(%arg3 : memref<16xi32, #tpu.memory_space<hbm>>) dst(%arg8 : memref<16xi32, #tpu.memory_space<vmem>>)
    %dma_wait3A = tpu.memref_slice %arg4[%select_n3A, %mul3A_32] : memref<16x2048xi32, #tpu.memory_space<hbm>> -> memref<1x1024xi32, #tpu.memory_space<hbm>>
    %dma_wait3A_36 = tpu.memref_squeeze %dma_wait3A : memref<1x1024xi32, #tpu.memory_space<hbm>> -> memref<1024xi32, #tpu.memory_space<hbm>>
    %dma_wait3A_37 = tpu.memref_slice %arg4[%select_n3A, %mul3A_32] : memref<16x2048xi32, #tpu.memory_space<hbm>> -> memref<1x1024xi32, #tpu.memory_space<hbm>>
    %dma_wait3A_38 = tpu.memref_squeeze %dma_wait3A_37 : memref<1x1024xi32, #tpu.memory_space<hbm>> -> memref<1024xi32, #tpu.memory_space<hbm>>
    tpu.wait_dma2 semaphore(%arg15 : memref<!tpu.dma_semaphore, #tpu.memory_space<semaphore_mem>>) src(%dma_wait3A_38 : memref<1024xi32, #tpu.memory_space<hbm>>) dst(%arg9 : memref<1024xi32, #tpu.memory_space<vmem>>)
    %broadcast_in_dim3A = vector.broadcast %select_n3A : i32 to vector<16xi32>
    %gather3A = tpu.vector_load_idx %arg7[%broadcast_in_dim3A] : memref<16xi32, #tpu.memory_space<vmem>>[vector<16xi32>], vector<16xi32>,
    %gather3A_39 = tpu.vector_load_idx %arg8[%broadcast_in_dim3A] : memref<16xi32, #tpu.memory_space<vmem>>[vector<16xi32>], vector<16xi32>,
    %sub3A_40 = arith.constant 1 : i32
    %sub3A_41 = vector.broadcast %sub3A_40 : i32 to vector<16xi32>
    %sub3A_42 = arith.subi %gather3A_39, %sub3A_41 : vector<16xi32>
    %mul3A_43 = arith.constant 1024 : i32
    %mul3A_44 = arith.muli %select_n3A_30, %mul3A_43 : i32
    %get3A = arith.constant 0 : index
    %get3A_45 = tpu.vector_load %arg9[%get3A] {strides = array<i32>} : memref<1024xi32, #tpu.memory_space<vmem>>, vector<16xi32>,
    %add3A_46 = arith.addi %get3A_45, %gather3A : vector<16xi32>
    %sub3A_47 = arith.subi %sub3A_42, %add3A_46 : vector<16xi32>
    %swap3A = arith.constant 0 : i32
    %swap3A_48 = arith.index_cast %swap3A : i32 to index
    %swap3A_49 = arith.constant 0 : index
    %swap3A_50 = tpu.vector_load %arg10[%swap3A_48, %swap3A_49] {strides = array<i32>} : memref<16x128xi32, #tpu.memory_space<vmem>>, vector<16xi32>,
    tpu.vector_store %arg10[%swap3A_48, %swap3A_49], %add3A_46 {strides = array<i32>} : memref<16x128xi32, #tpu.memory_space<vmem>>, vector<16xi32>,
    %swap3A_51 = arith.constant 0 : i32
    %swap3A_52 = arith.index_cast %swap3A_51 : i32 to index
    %swap3A_53 = arith.constant 64 : index
    %swap3A_54 = tpu.vector_load %arg10[%swap3A_52, %swap3A_53] {strides = array<i32>} : memref<16x128xi32, #tpu.memory_space<vmem>>, vector<16xi32>,
    tpu.vector_store %arg10[%swap3A_52, %swap3A_53], %sub3A_47 {strides = array<i32>} : memref<16x128xi32, #tpu.memory_space<vmem>>, vector<16xi32>,
    %get3A_55 = arith.constant 16 : index
    %get3A_56 = tpu.vector_load %arg9[%get3A_55] {strides = array<i32>} : memref<1024xi32, #tpu.memory_space<vmem>>, vector<16xi32>,
    %add3A_57 = arith.addi %get3A_56, %gather3A : vector<16xi32>
    %sub3A_58 = arith.subi %sub3A_42, %add3A_57 : vector<16xi32>
    %swap3A_59 = arith.constant 0 : i32
    %swap3A_60 = arith.index_cast %swap3A_59 : i32 to index
    %swap3A_61 = arith.constant 16 : index
    %swap3A_62 = tpu.vector_load %arg10[%swap3A_60, %swap3A_61] {strides = array<i32>} : memref<16x128xi32, #tpu.memory_space<vmem>>, vector<16xi32>,
    tpu.vector_store %arg10[%swap3A_60, %swap3A_61], %add3A_57 {strides = array<i32>} : memref<16x128xi32, #tpu.memory_space<vmem>>, vector<16xi32>,
    %swap3A_63 = arith.constant 0 : i32
    %swap3A_64 = arith.index_cast %swap3A_63 : i32 to index
    %swap3A_65 = arith.constant 80 : index
    %swap3A_66 = tpu.vector_load %arg10[%swap3A_64, %swap3A_65] {strides = array<i32>} : memref<16x128xi32, #tpu.memory_space<vmem>>, vector<16xi32>,
    tpu.vector_store %arg10[%swap3A_64, %swap3A_65], %sub3A_58 {strides = array<i32>} : memref<16x128xi32, #tpu.memory_space<vmem>>, vector<16xi32>,
    %get3A_67 = arith.constant 32 : index
    %get3A_68 = tpu.vector_load %arg9[%get3A_67] {strides = array<i32>} : memref<1024xi32, #tpu.memory_space<vmem>>, vector<16xi32>,
    %add3A_69 = arith.addi %get3A_68, %gather3A : vector<16xi32>
    %sub3A_70 = arith.subi %sub3A_42, %add3A_69 : vector<16xi32>
    %swap3A_71 = arith.constant 0 : i32
    %swap3A_72 = arith.index_cast %swap3A_71 : i32 to index
    %swap3A_73 = arith.constant 32 : index
    %swap3A_74 = tpu.vector_load %arg10[%swap3A_72, %swap3A_73] {strides = array<i32>} : memref<16x128xi32, #tpu.memory_space<vmem>>, vector<16xi32>,
    tpu.vector_store %arg10[%swap3A_72, %swap3A_73], %add3A_69 {strides = array<i32>} : memref<16x128xi32, #tpu.memory_space<vmem>>, vector<16xi32>,
    %swap3A_75 = arith.constant 0 : i32
    %swap3A_76 = arith.index_cast %swap3A_75 : i32 to index
    %swap3A_77 = arith.constant 96 : index
    %swap3A_78 = tpu.vector_load %arg10[%swap3A_76, %swap3A_77] {strides = array<i32>} : memref<16x128xi32, #tpu.memory_space<vmem>>, vector<16xi32>,
    tpu.vector_store %arg10[%swap3A_76, %swap3A_77], %sub3A_70 {strides = array<i32>} : memref<16x128xi32, #tpu.memory_space<vmem>>, vector<16xi32>,
    %get3A_79 = arith.constant 48 : index
    %get3A_80 = tpu.vector_load %arg9[%get3A_79] {strides = array<i32>} : memref<1024xi32, #tpu.memory_space<vmem>>, vector<16xi32>,
    %add3A_81 = arith.addi %get3A_80, %gather3A : vector<16xi32>
    %sub3A_82 = arith.subi %sub3A_42, %add3A_81 : vector<16xi32>
    %swap3A_83 = arith.constant 0 : i32
    %swap3A_84 = arith.index_cast %swap3A_83 : i32 to index
    %swap3A_85 = arith.constant 48 : index
    %swap3A_86 = tpu.vector_load %arg10[%swap3A_84, %swap3A_85] {strides = array<i32>} : memref<16x128xi32, #tpu.memory_space<vmem>>, vector<16xi32>,
    tpu.vector_store %arg10[%swap3A_84, %swap3A_85], %add3A_81 {strides = array<i32>} : memref<16x128xi32, #tpu.memory_space<vmem>>, vector<16xi32>,
    %swap3A_87 = arith.constant 0 : i32
    %swap3A_88 = arith.index_cast %swap3A_87 : i32 to index
    %swap3A_89 = arith.constant 112 : index
    %swap3A_90 = tpu.vector_load %arg10[%swap3A_88, %swap3A_89] {strides = array<i32>} : memref<16x128xi32, #tpu.memory_space<vmem>>, vector<16xi32>,
    tpu.vector_store %arg10[%swap3A_88, %swap3A_89], %sub3A_82 {strides = array<i32>} : memref<16x128xi32, #tpu.memory_space<vmem>>, vector<16xi32>,
    %dma_start3A_91 = arith.constant 0 : i32
    %dma_start3A_92 = arith.constant 0 : i32
    %dma_start3A_93 = arith.constant 0 : i32
    %dma_start3A_94 = tpu.memref_slice %arg11[%dma_start3A_92, %dma_start3A_93] : memref<64x512xf32, #tpu.memory_space<vmem>> -> memref<64x256xf32, #tpu.memory_space<vmem>>
    %dma_start3A_95 = arith.constant 0 : i32
    %dma_start3A_96 = tpu.memref_slice %arg10[%dma_start3A_91, %dma_start3A_95] : memref<16x128xi32, #tpu.memory_space<vmem>> -> memref<1x64xi32, #tpu.memory_space<vmem>>
    %dma_start3A_97 = tpu.memref_squeeze %dma_start3A_96 : memref<1x64xi32, #tpu.memory_space<vmem>> -> memref<64xi32, #tpu.memory_space<vmem>>
    %dma_start3A_98 = arith.constant 0 : i32
    %dma_start3A_99 = arith.constant 0 : i32
    %dma_start3A_100 = tpu.memref_slice %arg5[%dma_start3A_98, %dma_start3A_99] : memref<8192x256xf32, #tpu.memory_space<hbm>> -> memref<8192x256xf32, #tpu.memory_space<hbm>>
    tpu.enqueue_indirect_dma source(%dma_start3A_100 : memref<8192x256xf32, #tpu.memory_space<hbm>>) target(%dma_start3A_94 : memref<64x256xf32, #tpu.memory_space<vmem>>) offsets(%dma_start3A_97 : memref<64xi32, #tpu.memory_space<vmem>>) semaphore(%arg13 : memref<!tpu.dma_semaphore, #tpu.memory_space<semaphore_mem>>)
    %dma_start3A_101 = arith.constant 0 : i32
    %dma_start3A_102 = arith.constant 0 : i32
    %dma_start3A_103 = arith.constant 256 : i32
    %dma_start3A_104 = tpu.memref_slice %arg11[%dma_start3A_102, %dma_start3A_103] : memref<64x512xf32, #tpu.memory_space<vmem>> -> memref<64x256xf32, #tpu.memory_space<vmem>>
    %dma_start3A_105 = arith.constant 64 : i32
    %dma_start3A_106 = tpu.memref_slice %arg10[%dma_start3A_101, %dma_start3A_105] : memref<16x128xi32, #tpu.memory_space<vmem>> -> memref<1x64xi32, #tpu.memory_space<vmem>>
    %dma_start3A_107 = tpu.memref_squeeze %dma_start3A_106 : memref<1x64xi32, #tpu.memory_space<vmem>> -> memref<64xi32, #tpu.memory_space<vmem>>
    %dma_start3A_108 = arith.constant 0 : i32
    %dma_start3A_109 = arith.constant 0 : i32
    %dma_start3A_110 = tpu.memref_slice %arg5[%dma_start3A_108, %dma_start3A_109] : memref<8192x256xf32, #tpu.memory_space<hbm>> -> memref<8192x256xf32, #tpu.memory_space<hbm>>
    tpu.enqueue_indirect_dma source(%dma_start3A_110 : memref<8192x256xf32, #tpu.memory_space<hbm>>) target(%dma_start3A_104 : memref<64x256xf32, #tpu.memory_space<vmem>>) offsets(%dma_start3A_107 : memref<64xi32, #tpu.memory_space<vmem>>) semaphore(%arg14 : memref<!tpu.dma_semaphore, #tpu.memory_space<semaphore_mem>>)
    %scan3A = arith.constant 4 : i32
    %scan3A_111 = arith.constant 60 : i32
    %scan3A_112 = arith.addi %scan3A, %scan3A_111 : i32
    %scan3A_113 = arith.constant 4 : i32
    scf.for %scan3A_128 = %scan3A to %scan3A_112 step %scan3A_113  : i32 {
      %mul3A_129 = arith.constant 16 : i32
      %mul3A_130 = arith.muli %scan3A_128, %mul3A_129 : i32
      %get3A_131 = arith.index_cast %mul3A_130 : i32 to index
      %get3A_132 = tpu.vector_load %arg9[%get3A_131] {strides = array<i32>} : memref<1024xi32, #tpu.memory_space<vmem>>, vector<16xi32>,
      %add3A_133 = arith.addi %get3A_132, %gather3A : vector<16xi32>
      %sub3A_134 = arith.subi %sub3A_42, %add3A_133 : vector<16xi32>
      %jit3A_135 = arith.constant 4 : i32
      %div3A_136 = arith.divsi %scan3A_128, %jit3A_135 : i32
      %sign3A_137 = arith.constant 0 : i32
      %sign3A_138 = arith.cmpi sgt, %scan3A_128, %sign3A_137 : i32
      %sign3A_139 = arith.extui %sign3A_138 : i1 to i32
      %sign3A_140 = arith.constant 0 : i32
      %sign3A_141 = arith.cmpi slt, %scan3A_128, %sign3A_140 : i32
      %sign3A_142 = arith.extui %sign3A_141 : i1 to i32
      %sign3A_143 = arith.subi %sign3A_139, %sign3A_142 : i32
      %sign3A_144 = arith.constant 0 : i32
      %sign3A_145 = arith.cmpi sgt, %jit3A_135, %sign3A_144 : i32
      %sign3A_146 = arith.extui %sign3A_145 : i1 to i32
      %sign3A_147 = arith.constant 0 : i32
      %sign3A_148 = arith.cmpi slt, %jit3A_135, %sign3A_147 : i32
      %sign3A_149 = arith.extui %sign3A_148 : i1 to i32
      %sign3A_150 = arith.subi %sign3A_146, %sign3A_149 : i32
      %ne3A_151 = arith.cmpi ne, %sign3A_143, %sign3A_150 : i32
      %rem3A_152 = arith.remsi %scan3A_128, %jit3A_135 : i32
      %ne3A_153 = arith.constant 0 : i32
      %ne3A_154 = arith.cmpi ne, %rem3A_152, %ne3A_153 : i32
      %and3A_155 = arith.andi %ne3A_151, %ne3A_154 : i1
      %sub3A_156 = arith.constant 1 : i32
      %sub3A_157 = arith.subi %div3A_136, %sub3A_156 : i32
      %select_n3A_158 = arith.select %and3A_155, %sub3A_157, %div3A_136 : i32
      %jit3A_159 = arith.constant 4 : i32
      %eq3A_160 = arith.constant 0 : i32
      %eq3A_161 = arith.cmpi eq, %jit3A_159, %eq3A_160 : i32
      %jit3A_162 = arith.constant 1 : i32
      %select_n3A_163 = arith.select %eq3A_161, %jit3A_162, %jit3A_159 : i32
      %rem3A_164 = arith.remsi %scan3A_128, %select_n3A_163 : i32
      %ne3A_165 = arith.constant 0 : i32
      %ne3A_166 = arith.cmpi ne, %rem3A_164, %ne3A_165 : i32
      %lt3A_167 = arith.constant 0 : i32
      %lt3A_168 = arith.cmpi slt, %rem3A_164, %lt3A_167 : i32
      %lt3A_169 = arith.constant 0 : i32
      %lt3A_170 = arith.cmpi slt, %select_n3A_163, %lt3A_169 : i32
      %ne3A_171 = arith.xori %lt3A_168, %lt3A_170 : i1
      %and3A_172 = arith.andi %ne3A_171, %ne3A_166 : i1
      %add3A_173 = arith.addi %rem3A_164, %select_n3A_163 : i32
      %select_n3A_174 = arith.select %and3A_172, %add3A_173, %rem3A_164 : i32
      %mul3A_175 = arith.constant 16 : i32
      %mul3A_176 = arith.muli %select_n3A_174, %mul3A_175 : i32
      %swap3A_177 = arith.index_cast %select_n3A_158 : i32 to index
      %swap3A_178 = arith.index_cast %mul3A_176 : i32 to index
      %swap3A_179 = tpu.vector_load %arg10[%swap3A_177, %swap3A_178] {strides = array<i32>} : memref<16x128xi32, #tpu.memory_space<vmem>>, vector<16xi32>,
      tpu.vector_store %arg10[%swap3A_177, %swap3A_178], %add3A_133 {strides = array<i32>} : memref<16x128xi32, #tpu.memory_space<vmem>>, vector<16xi32>,
      %add3A_180 = arith.constant 64 : i32
      %add3A_181 = arith.addi %add3A_180, %mul3A_176 : i32
      %swap3A_182 = arith.index_cast %select_n3A_158 : i32 to index
      %swap3A_183 = arith.index_cast %add3A_181 : i32 to index
      %swap3A_184 = tpu.vector_load %arg10[%swap3A_182, %swap3A_183] {strides = array<i32>} : memref<16x128xi32, #tpu.memory_space<vmem>>, vector<16xi32>,
      tpu.vector_store %arg10[%swap3A_182, %swap3A_183], %sub3A_134 {strides = array<i32>} : memref<16x128xi32, #tpu.memory_space<vmem>>, vector<16xi32>,
      %scan3A_185 = arith.constant 1 : i32
      %scan3A_186 = arith.addi %scan3A_128, %scan3A_185 : i32
      %mul3A_187 = arith.constant 16 : i32
      %mul3A_188 = arith.muli %scan3A_186, %mul3A_187 : i32
      %get3A_189 = arith.index_cast %mul3A_188 : i32 to index
      %get3A_190 = tpu.vector_load %arg9[%get3A_189] {strides = array<i32>} : memref<1024xi32, #tpu.memory_space<vmem>>, vector<16xi32>,
      %add3A_191 = arith.addi %get3A_190, %gather3A : vector<16xi32>
      %sub3A_192 = arith.subi %sub3A_42, %add3A_191 : vector<16xi32>
      %jit3A_193 = arith.constant 4 : i32
      %div3A_194 = arith.divsi %scan3A_186, %jit3A_193 : i32
      %sign3A_195 = arith.constant 0 : i32
      %sign3A_196 = arith.cmpi sgt, %scan3A_186, %sign3A_195 : i32
      %sign3A_197 = arith.extui %sign3A_196 : i1 to i32
      %sign3A_198 = arith.constant 0 : i32
      %sign3A_199 = arith.cmpi slt, %scan3A_186, %sign3A_198 : i32
      %sign3A_200 = arith.extui %sign3A_199 : i1 to i32
      %sign3A_201 = arith.subi %sign3A_197, %sign3A_200 : i32
      %sign3A_202 = arith.constant 0 : i32
      %sign3A_203 = arith.cmpi sgt, %jit3A_193, %sign3A_202 : i32
      %sign3A_204 = arith.extui %sign3A_203 : i1 to i32
      %sign3A_205 = arith.constant 0 : i32
      %sign3A_206 = arith.cmpi slt, %jit3A_193, %sign3A_205 : i32
      %sign3A_207 = arith.extui %sign3A_206 : i1 to i32
      %sign3A_208 = arith.subi %sign3A_204, %sign3A_207 : i32
      %ne3A_209 = arith.cmpi ne, %sign3A_201, %sign3A_208 : i32
      %rem3A_210 = arith.remsi %scan3A_186, %jit3A_193 : i32
      %ne3A_211 = arith.constant 0 : i32
      %ne3A_212 = arith.cmpi ne, %rem3A_210, %ne3A_211 : i32
      %and3A_213 = arith.andi %ne3A_209, %ne3A_212 : i1
      %sub3A_214 = arith.constant 1 : i32
      %sub3A_215 = arith.subi %div3A_194, %sub3A_214 : i32
      %select_n3A_216 = arith.select %and3A_213, %sub3A_215, %div3A_194 : i32
      %jit3A_217 = arith.constant 4 : i32
      %eq3A_218 = arith.constant 0 : i32
      %eq3A_219 = arith.cmpi eq, %jit3A_217, %eq3A_218 : i32
      %jit3A_220 = arith.constant 1 : i32
      %select_n3A_221 = arith.select %eq3A_219, %jit3A_220, %jit3A_217 : i32
      %rem3A_222 = arith.remsi %scan3A_186, %select_n3A_221 : i32
      %ne3A_223 = arith.constant 0 : i32
      %ne3A_224 = arith.cmpi ne, %rem3A_222, %ne3A_223 : i32
      %lt3A_225 = arith.constant 0 : i32
      %lt3A_226 = arith.cmpi slt, %rem3A_222, %lt3A_225 : i32
      %lt3A_227 = arith.constant 0 : i32
      %lt3A_228 = arith.cmpi slt, %select_n3A_221, %lt3A_227 : i32
      %ne3A_229 = arith.xori %lt3A_226, %lt3A_228 : i1
      %and3A_230 = arith.andi %ne3A_229, %ne3A_224 : i1
      %add3A_231 = arith.addi %rem3A_222, %select_n3A_221 : i32
      %select_n3A_232 = arith.select %and3A_230, %add3A_231, %rem3A_222 : i32
      %mul3A_233 = arith.constant 16 : i32
      %mul3A_234 = arith.muli %select_n3A_232, %mul3A_233 : i32
      %swap3A_235 = arith.index_cast %select_n3A_216 : i32 to index
      %swap3A_236 = arith.index_cast %mul3A_234 : i32 to index
      %swap3A_237 = tpu.vector_load %arg10[%swap3A_235, %swap3A_236] {strides = array<i32>} : memref<16x128xi32, #tpu.memory_space<vmem>>, vector<16xi32>,
      tpu.vector_store %arg10[%swap3A_235, %swap3A_236], %add3A_191 {strides = array<i32>} : memref<16x128xi32, #tpu.memory_space<vmem>>, vector<16xi32>,
      %add3A_238 = arith.constant 64 : i32
      %add3A_239 = arith.addi %add3A_238, %mul3A_234 : i32
      %swap3A_240 = arith.index_cast %select_n3A_216 : i32 to index
      %swap3A_241 = arith.index_cast %add3A_239 : i32 to index
      %swap3A_242 = tpu.vector_load %arg10[%swap3A_240, %swap3A_241] {strides = array<i32>} : memref<16x128xi32, #tpu.memory_space<vmem>>, vector<16xi32>,
      tpu.vector_store %arg10[%swap3A_240, %swap3A_241], %sub3A_192 {strides = array<i32>} : memref<16x128xi32, #tpu.memory_space<vmem>>, vector<16xi32>,
      %scan3A_243 = arith.constant 2 : i32
      %scan3A_244 = arith.addi %scan3A_128, %scan3A_243 : i32
      %mul3A_245 = arith.constant 16 : i32
      %mul3A_246 = arith.muli %scan3A_244, %mul3A_245 : i32
      %get3A_247 = arith.index_cast %mul3A_246 : i32 to index
      %get3A_248 = tpu.vector_load %arg9[%get3A_247] {strides = array<i32>} : memref<1024xi32, #tpu.memory_space<vmem>>, vector<16xi32>,
      %add3A_249 = arith.addi %get3A_248, %gather3A : vector<16xi32>
      %sub3A_250 = arith.subi %sub3A_42, %add3A_249 : vector<16xi32>
      %jit3A_251 = arith.constant 4 : i32
      %div3A_252 = arith.divsi %scan3A_244, %jit3A_251 : i32
      %sign3A_253 = arith.constant 0 : i32
      %sign3A_254 = arith.cmpi sgt, %scan3A_244, %sign3A_253 : i32
      %sign3A_255 = arith.extui %sign3A_254 : i1 to i32
      %sign3A_256 = arith.constant 0 : i32
      %sign3A_257 = arith.cmpi slt, %scan3A_244, %sign3A_256 : i32
      %sign3A_258 = arith.extui %sign3A_257 : i1 to i32
      %sign3A_259 = arith.subi %sign3A_255, %sign3A_258 : i32
      %sign3A_260 = arith.constant 0 : i32
      %sign3A_261 = arith.cmpi sgt, %jit3A_251, %sign3A_260 : i32
      %sign3A_262 = arith.extui %sign3A_261 : i1 to i32
      %sign3A_263 = arith.constant 0 : i32
      %sign3A_264 = arith.cmpi slt, %jit3A_251, %sign3A_263 : i32
      %sign3A_265 = arith.extui %sign3A_264 : i1 to i32
      %sign3A_266 = arith.subi %sign3A_262, %sign3A_265 : i32
      %ne3A_267 = arith.cmpi ne, %sign3A_259, %sign3A_266 : i32
      %rem3A_268 = arith.remsi %scan3A_244, %jit3A_251 : i32
      %ne3A_269 = arith.constant 0 : i32
      %ne3A_270 = arith.cmpi ne, %rem3A_268, %ne3A_269 : i32
      %and3A_271 = arith.andi %ne3A_267, %ne3A_270 : i1
      %sub3A_272 = arith.constant 1 : i32
      %sub3A_273 = arith.subi %div3A_252, %sub3A_272 : i32
      %select_n3A_274 = arith.select %and3A_271, %sub3A_273, %div3A_252 : i32
      %jit3A_275 = arith.constant 4 : i32
      %eq3A_276 = arith.constant 0 : i32
      %eq3A_277 = arith.cmpi eq, %jit3A_275, %eq3A_276 : i32
      %jit3A_278 = arith.constant 1 : i32
      %select_n3A_279 = arith.select %eq3A_277, %jit3A_278, %jit3A_275 : i32
      %rem3A_280 = arith.remsi %scan3A_244, %select_n3A_279 : i32
      %ne3A_281 = arith.constant 0 : i32
      %ne3A_282 = arith.cmpi ne, %rem3A_280, %ne3A_281 : i32
      %lt3A_283 = arith.constant 0 : i32
      %lt3A_284 = arith.cmpi slt, %rem3A_280, %lt3A_283 : i32
      %lt3A_285 = arith.constant 0 : i32
      %lt3A_286 = arith.cmpi slt, %select_n3A_279, %lt3A_285 : i32
      %ne3A_287 = arith.xori %lt3A_284, %lt3A_286 : i1
      %and3A_288 = arith.andi %ne3A_287, %ne3A_282 : i1
      %add3A_289 = arith.addi %rem3A_280, %select_n3A_279 : i32
      %select_n3A_290 = arith.select %and3A_288, %add3A_289, %rem3A_280 : i32
      %mul3A_291 = arith.constant 16 : i32
      %mul3A_292 = arith.muli %select_n3A_290, %mul3A_291 : i32
      %swap3A_293 = arith.index_cast %select_n3A_274 : i32 to index
      %swap3A_294 = arith.index_cast %mul3A_292 : i32 to index
      %swap3A_295 = tpu.vector_load %arg10[%swap3A_293, %swap3A_294] {strides = array<i32>} : memref<16x128xi32, #tpu.memory_space<vmem>>, vector<16xi32>,
      tpu.vector_store %arg10[%swap3A_293, %swap3A_294], %add3A_249 {strides = array<i32>} : memref<16x128xi32, #tpu.memory_space<vmem>>, vector<16xi32>,
      %add3A_296 = arith.constant 64 : i32
      %add3A_297 = arith.addi %add3A_296, %mul3A_292 : i32
      %swap3A_298 = arith.index_cast %select_n3A_274 : i32 to index
      %swap3A_299 = arith.index_cast %add3A_297 : i32 to index
      %swap3A_300 = tpu.vector_load %arg10[%swap3A_298, %swap3A_299] {strides = array<i32>} : memref<16x128xi32, #tpu.memory_space<vmem>>, vector<16xi32>,
      tpu.vector_store %arg10[%swap3A_298, %swap3A_299], %sub3A_250 {strides = array<i32>} : memref<16x128xi32, #tpu.memory_space<vmem>>, vector<16xi32>,
      %scan3A_301 = arith.constant 3 : i32
      %scan3A_302 = arith.addi %scan3A_128, %scan3A_301 : i32
      %mul3A_303 = arith.constant 16 : i32
      %mul3A_304 = arith.muli %scan3A_302, %mul3A_303 : i32
      %get3A_305 = arith.index_cast %mul3A_304 : i32 to index
      %get3A_306 = tpu.vector_load %arg9[%get3A_305] {strides = array<i32>} : memref<1024xi32, #tpu.memory_space<vmem>>, vector<16xi32>,
      %add3A_307 = arith.addi %get3A_306, %gather3A : vector<16xi32>
      %sub3A_308 = arith.subi %sub3A_42, %add3A_307 : vector<16xi32>
      %jit3A_309 = arith.constant 4 : i32
      %div3A_310 = arith.divsi %scan3A_302, %jit3A_309 : i32
      %sign3A_311 = arith.constant 0 : i32
      %sign3A_312 = arith.cmpi sgt, %scan3A_302, %sign3A_311 : i32
      %sign3A_313 = arith.extui %sign3A_312 : i1 to i32
      %sign3A_314 = arith.constant 0 : i32
      %sign3A_315 = arith.cmpi slt, %scan3A_302, %sign3A_314 : i32
      %sign3A_316 = arith.extui %sign3A_315 : i1 to i32
      %sign3A_317 = arith.subi %sign3A_313, %sign3A_316 : i32
      %sign3A_318 = arith.constant 0 : i32
      %sign3A_319 = arith.cmpi sgt, %jit3A_309, %sign3A_318 : i32
      %sign3A_320 = arith.extui %sign3A_319 : i1 to i32
      %sign3A_321 = arith.constant 0 : i32
      %sign3A_322 = arith.cmpi slt, %jit3A_309, %sign3A_321 : i32
      %sign3A_323 = arith.extui %sign3A_322 : i1 to i32
      %sign3A_324 = arith.subi %sign3A_320, %sign3A_323 : i32
      %ne3A_325 = arith.cmpi ne, %sign3A_317, %sign3A_324 : i32
      %rem3A_326 = arith.remsi %scan3A_302, %jit3A_309 : i32
      %ne3A_327 = arith.constant 0 : i32
      %ne3A_328 = arith.cmpi ne, %rem3A_326, %ne3A_327 : i32
      %and3A_329 = arith.andi %ne3A_325, %ne3A_328 : i1
      %sub3A_330 = arith.constant 1 : i32
      %sub3A_331 = arith.subi %div3A_310, %sub3A_330 : i32
      %select_n3A_332 = arith.select %and3A_329, %sub3A_331, %div3A_310 : i32
      %jit3A_333 = arith.constant 4 : i32
      %eq3A_334 = arith.constant 0 : i32
      %eq3A_335 = arith.cmpi eq, %jit3A_333, %eq3A_334 : i32
      %jit3A_336 = arith.constant 1 : i32
      %select_n3A_337 = arith.select %eq3A_335, %jit3A_336, %jit3A_333 : i32
      %rem3A_338 = arith.remsi %scan3A_302, %select_n3A_337 : i32
      %ne3A_339 = arith.constant 0 : i32
      %ne3A_340 = arith.cmpi ne, %rem3A_338, %ne3A_339 : i32
      %lt3A_341 = arith.constant 0 : i32
      %lt3A_342 = arith.cmpi slt, %rem3A_338, %lt3A_341 : i32
      %lt3A_343 = arith.constant 0 : i32
      %lt3A_344 = arith.cmpi slt, %select_n3A_337, %lt3A_343 : i32
      %ne3A_345 = arith.xori %lt3A_342, %lt3A_344 : i1
      %and3A_346 = arith.andi %ne3A_345, %ne3A_340 : i1
      %add3A_347 = arith.addi %rem3A_338, %select_n3A_337 : i32
      %select_n3A_348 = arith.select %and3A_346, %add3A_347, %rem3A_338 : i32
      %mul3A_349 = arith.constant 16 : i32
      %mul3A_350 = arith.muli %select_n3A_348, %mul3A_349 : i32
      %swap3A_351 = arith.index_cast %select_n3A_332 : i32 to index
      %swap3A_352 = arith.index_cast %mul3A_350 : i32 to index
      %swap3A_353 = tpu.vector_load %arg10[%swap3A_351, %swap3A_352] {strides = array<i32>} : memref<16x128xi32, #tpu.memory_space<vmem>>, vector<16xi32>,
      tpu.vector_store %arg10[%swap3A_351, %swap3A_352], %add3A_307 {strides = array<i32>} : memref<16x128xi32, #tpu.memory_space<vmem>>, vector<16xi32>,
      %add3A_354 = arith.constant 64 : i32
      %add3A_355 = arith.addi %add3A_354, %mul3A_350 : i32
      %swap3A_356 = arith.index_cast %select_n3A_332 : i32 to index
      %swap3A_357 = arith.index_cast %add3A_355 : i32 to index
      %swap3A_358 = tpu.vector_load %arg10[%swap3A_356, %swap3A_357] {strides = array<i32>} : memref<16x128xi32, #tpu.memory_space<vmem>>, vector<16xi32>,
      tpu.vector_store %arg10[%swap3A_356, %swap3A_357], %sub3A_308 {strides = array<i32>} : memref<16x128xi32, #tpu.memory_space<vmem>>, vector<16xi32>,
    }
    %scan3A_114 = arith.constant 60 : i32
    %scan3A_115 = arith.constant 0 : i32
    %scan3A_116 = arith.constant 8 : i32
    %scan3A_117 = arith.addi %scan3A_115, %scan3A_116 : i32
    %scan3A_118 = arith.constant 1 : i32
    scf.for %scan3A_128 = %scan3A_115 to %scan3A_117 step %scan3A_118  : i32 {
      %mul3A_129 = arith.constant 2 : i32
      %mul3A_130 = arith.muli %mul3A_129, %scan3A_128 : i32
      %add3A_131 = arith.constant 0 : i32
      %add3A_132 = arith.addi %mul3A_130, %add3A_131 : i32
      %dma_wait3A_133 = arith.constant 0 : i32
      %dma_wait3A_134 = arith.constant 0 : i32
      %dma_wait3A_135 = tpu.memref_slice %arg11[%dma_wait3A_133, %dma_wait3A_134] : memref<64x512xf32, #tpu.memory_space<vmem>> -> memref<64x256xf32, #tpu.memory_space<vmem>>
      %dma_wait3A_136 = arith.constant 0 : i32
      %dma_wait3A_137 = tpu.memref_slice %arg10[%add3A_132, %dma_wait3A_136] : memref<16x128xi32, #tpu.memory_space<vmem>> -> memref<1x64xi32, #tpu.memory_space<vmem>>
      %dma_wait3A_138 = tpu.memref_squeeze %dma_wait3A_137 : memref<1x64xi32, #tpu.memory_space<vmem>> -> memref<64xi32, #tpu.memory_space<vmem>>
      %dma_wait3A_139 = arith.constant 0 : i32
      %dma_wait3A_140 = arith.constant 0 : i32
      %dma_wait3A_141 = tpu.memref_slice %arg5[%dma_wait3A_139, %dma_wait3A_140] : memref<8192x256xf32, #tpu.memory_space<hbm>> -> memref<8192x256xf32, #tpu.memory_space<hbm>>
      tpu.wait_indirect_dma semaphore(%arg13 : memref<!tpu.dma_semaphore, #tpu.memory_space<semaphore_mem>>) src(%dma_wait3A_141 : memref<8192x256xf32, #tpu.memory_space<hbm>>) dst(%dma_wait3A_135 : memref<64x256xf32, #tpu.memory_space<vmem>>)
      %dma_wait3A_142 = arith.constant 0 : i32
      %dma_wait3A_143 = arith.constant 256 : i32
      %dma_wait3A_144 = tpu.memref_slice %arg11[%dma_wait3A_142, %dma_wait3A_143] : memref<64x512xf32, #tpu.memory_space<vmem>> -> memref<64x256xf32, #tpu.memory_space<vmem>>
      %dma_wait3A_145 = arith.constant 64 : i32
      %dma_wait3A_146 = tpu.memref_slice %arg10[%add3A_132, %dma_wait3A_145] : memref<16x128xi32, #tpu.memory_space<vmem>> -> memref<1x64xi32, #tpu.memory_space<vmem>>
      %dma_wait3A_147 = tpu.memref_squeeze %dma_wait3A_146 : memref<1x64xi32, #tpu.memory_space<vmem>> -> memref<64xi32, #tpu.memory_space<vmem>>
      %dma_wait3A_148 = arith.constant 0 : i32
      %dma_wait3A_149 = arith.constant 0 : i32
      %dma_wait3A_150 = tpu.memref_slice %arg5[%dma_wait3A_148, %dma_wait3A_149] : memref<8192x256xf32, #tpu.memory_space<hbm>> -> memref<8192x256xf32, #tpu.memory_space<hbm>>
      tpu.wait_indirect_dma semaphore(%arg14 : memref<!tpu.dma_semaphore, #tpu.memory_space<semaphore_mem>>) src(%dma_wait3A_150 : memref<8192x256xf32, #tpu.memory_space<hbm>>) dst(%dma_wait3A_144 : memref<64x256xf32, #tpu.memory_space<vmem>>)
      %ge3A = arith.constant 1 : i32
      %ge3A_151 = arith.cmpi sge, %add3A_132, %ge3A : i32
      %convert_element_type3A = arith.extui %ge3A_151 : i1 to i32
      %cond3A = arith.constant 0 : i32
      %cond3A_152 = arith.cmpi ne, %convert_element_type3A, %cond3A : i32
      scf.if %cond3A_152 {
        %sub3A_212 = arith.constant 1 : i32
        %sub3A_213 = arith.subi %add3A_132, %sub3A_212 : i32
        %mul3A_214 = arith.constant 64 : i32
        %mul3A_215 = arith.muli %sub3A_213, %mul3A_214 : i32
        %add3A_216 = arith.addi %mul3A_44, %mul3A_215 : i32
        %dma_wait3A_217 = arith.constant 0 : i32
        %dma_wait3A_218 = tpu.memref_slice %arg6[%select_n3A, %add3A_216, %dma_wait3A_217] : memref<16x2048x512xf32, #tpu.memory_space<hbm>> -> memref<1x64x512xf32, #tpu.memory_space<hbm>>
        %dma_wait3A_219 = tpu.memref_squeeze %dma_wait3A_218 : memref<1x64x512xf32, #tpu.memory_space<hbm>> -> memref<64x512xf32, #tpu.memory_space<hbm>>
        %dma_wait3A_220 = arith.constant 0 : i32
        %dma_wait3A_221 = tpu.memref_slice %arg6[%select_n3A, %add3A_216, %dma_wait3A_220] : memref<16x2048x512xf32, #tpu.memory_space<hbm>> -> memref<1x64x512xf32, #tpu.memory_space<hbm>>
        %dma_wait3A_222 = tpu.memref_squeeze %dma_wait3A_221 : memref<1x64x512xf32, #tpu.memory_space<hbm>> -> memref<64x512xf32, #tpu.memory_space<hbm>>
        tpu.wait_dma2 semaphore(%arg18 : memref<!tpu.dma_semaphore, #tpu.memory_space<semaphore_mem>>) src(%arg12 : memref<64x512xf32, #tpu.memory_space<vmem>>) dst(%dma_wait3A_222 : memref<64x512xf32, #tpu.memory_space<hbm>>)
      } else {
      }
      %add3A_153 = arith.constant 1 : i32
      %add3A_154 = arith.addi %add3A_132, %add3A_153 : i32
      %lt3A_155 = arith.constant 16 : i32
      %lt3A_156 = arith.cmpi slt, %add3A_154, %lt3A_155 : i32
      %convert_element_type3A_157 = arith.extui %lt3A_156 : i1 to i32
      %cond3A_158 = arith.constant 0 : i32
      %cond3A_159 = arith.cmpi ne, %convert_element_type3A_157, %cond3A_158 : i32
      scf.if %cond3A_159 {
        %add3A_212 = arith.constant 1 : i32
        %add3A_213 = arith.addi %add3A_132, %add3A_212 : i32
        %dma_start3A_214 = arith.constant 0 : i32
        %dma_start3A_215 = arith.constant 0 : i32
        %dma_start3A_216 = tpu.memref_slice %arg12[%dma_start3A_214, %dma_start3A_215] : memref<64x512xf32, #tpu.memory_space<vmem>> -> memref<64x256xf32, #tpu.memory_space<vmem>>
        %dma_start3A_217 = arith.constant 0 : i32
        %dma_start3A_218 = tpu.memref_slice %arg10[%add3A_213, %dma_start3A_217] : memref<16x128xi32, #tpu.memory_space<vmem>> -> memref<1x64xi32, #tpu.memory_space<vmem>>
        %dma_start3A_219 = tpu.memref_squeeze %dma_start3A_218 : memref<1x64xi32, #tpu.memory_space<vmem>> -> memref<64xi32, #tpu.memory_space<vmem>>
        %dma_start3A_220 = arith.constant 0 : i32
        %dma_start3A_221 = arith.constant 0 : i32
        %dma_start3A_222 = tpu.memref_slice %arg5[%dma_start3A_220, %dma_start3A_221] : memref<8192x256xf32, #tpu.memory_space<hbm>> -> memref<8192x256xf32, #tpu.memory_space<hbm>>
        tpu.enqueue_indirect_dma source(%dma_start3A_222 : memref<8192x256xf32, #tpu.memory_space<hbm>>) target(%dma_start3A_216 : memref<64x256xf32, #tpu.memory_space<vmem>>) offsets(%dma_start3A_219 : memref<64xi32, #tpu.memory_space<vmem>>) semaphore(%arg15 : memref<!tpu.dma_semaphore, #tpu.memory_space<semaphore_mem>>)
        %dma_start3A_223 = arith.constant 0 : i32
        %dma_start3A_224 = arith.constant 256 : i32
        %dma_start3A_225 = tpu.memref_slice %arg12[%dma_start3A_223, %dma_start3A_224] : memref<64x512xf32, #tpu.memory_space<vmem>> -> memref<64x256xf32, #tpu.memory_space<vmem>>
        %dma_start3A_226 = arith.constant 64 : i32
        %dma_start3A_227 = tpu.memref_slice %arg10[%add3A_213, %dma_start3A_226] : memref<16x128xi32, #tpu.memory_space<vmem>> -> memref<1x64xi32, #tpu.memory_space<vmem>>
        %dma_start3A_228 = tpu.memref_squeeze %dma_start3A_227 : memref<1x64xi32, #tpu.memory_space<vmem>> -> memref<64xi32, #tpu.memory_space<vmem>>
        %dma_start3A_229 = arith.constant 0 : i32
        %dma_start3A_230 = arith.constant 0 : i32
        %dma_start3A_231 = tpu.memref_slice %arg5[%dma_start3A_229, %dma_start3A_230] : memref<8192x256xf32, #tpu.memory_space<hbm>> -> memref<8192x256xf32, #tpu.memory_space<hbm>>
        tpu.enqueue_indirect_dma source(%dma_start3A_231 : memref<8192x256xf32, #tpu.memory_space<hbm>>) target(%dma_start3A_225 : memref<64x256xf32, #tpu.memory_space<vmem>>) offsets(%dma_start3A_228 : memref<64xi32, #tpu.memory_space<vmem>>) semaphore(%arg16 : memref<!tpu.dma_semaphore, #tpu.memory_space<semaphore_mem>>)
      } else {
      }
      %mul3A_160 = arith.constant 64 : i32
      %mul3A_161 = arith.muli %add3A_132, %mul3A_160 : i32
      %add3A_162 = arith.addi %mul3A_44, %mul3A_161 : i32
      %dma_start3A_163 = arith.constant 0 : i32
      %dma_start3A_164 = tpu.memref_slice %arg6[%select_n3A, %add3A_162, %dma_start3A_163] : memref<16x2048x512xf32, #tpu.memory_space<hbm>> -> memref<1x64x512xf32, #tpu.memory_space<hbm>>
      %dma_start3A_165 = tpu.memref_squeeze %dma_start3A_164 : memref<1x64x512xf32, #tpu.memory_space<hbm>> -> memref<64x512xf32, #tpu.memory_space<hbm>>
      %dma_start3A_166 = arith.constant 0 : i32
      %dma_start3A_167 = tpu.memref_slice %arg6[%select_n3A, %add3A_162, %dma_start3A_166] : memref<16x2048x512xf32, #tpu.memory_space<hbm>> -> memref<1x64x512xf32, #tpu.memory_space<hbm>>
      %dma_start3A_168 = tpu.memref_squeeze %dma_start3A_167 : memref<1x64x512xf32, #tpu.memory_space<hbm>> -> memref<64x512xf32, #tpu.memory_space<hbm>>
      tpu.enqueue_dma source(%arg11 : memref<64x512xf32, #tpu.memory_space<vmem>>) target(%dma_start3A_168 : memref<64x512xf32, #tpu.memory_space<hbm>>) target_semaphore(%arg17 : memref<!tpu.dma_semaphore, #tpu.memory_space<semaphore_mem>>)
      %mul3A_169 = arith.constant 2 : i32
      %mul3A_170 = arith.muli %mul3A_169, %scan3A_128 : i32
      %add3A_171 = arith.constant 1 : i32
      %add3A_172 = arith.addi %mul3A_170, %add3A_171 : i32
      %dma_wait3A_173 = arith.constant 0 : i32
      %dma_wait3A_174 = arith.constant 0 : i32
      %dma_wait3A_175 = tpu.memref_slice %arg12[%dma_wait3A_173, %dma_wait3A_174] : memref<64x512xf32, #tpu.memory_space<vmem>> -> memref<64x256xf32, #tpu.memory_space<vmem>>
      %dma_wait3A_176 = arith.constant 0 : i32
      %dma_wait3A_177 = tpu.memref_slice %arg10[%add3A_172, %dma_wait3A_176] : memref<16x128xi32, #tpu.memory_space<vmem>> -> memref<1x64xi32, #tpu.memory_space<vmem>>
      %dma_wait3A_178 = tpu.memref_squeeze %dma_wait3A_177 : memref<1x64xi32, #tpu.memory_space<vmem>> -> memref<64xi32, #tpu.memory_space<vmem>>
      %dma_wait3A_179 = arith.constant 0 : i32
      %dma_wait3A_180 = arith.constant 0 : i32
      %dma_wait3A_181 = tpu.memref_slice %arg5[%dma_wait3A_179, %dma_wait3A_180] : memref<8192x256xf32, #tpu.memory_space<hbm>> -> memref<8192x256xf32, #tpu.memory_space<hbm>>
      tpu.wait_indirect_dma semaphore(%arg15 : memref<!tpu.dma_semaphore, #tpu.memory_space<semaphore_mem>>) src(%dma_wait3A_181 : memref<8192x256xf32, #tpu.memory_space<hbm>>) dst(%dma_wait3A_175 : memref<64x256xf32, #tpu.memory_space<vmem>>)
      %dma_wait3A_182 = arith.constant 0 : i32
      %dma_wait3A_183 = arith.constant 256 : i32
      %dma_wait3A_184 = tpu.memref_slice %arg12[%dma_wait3A_182, %dma_wait3A_183] : memref<64x512xf32, #tpu.memory_space<vmem>> -> memref<64x256xf32, #tpu.memory_space<vmem>>
      %dma_wait3A_185 = arith.constant 64 : i32
      %dma_wait3A_186 = tpu.memref_slice %arg10[%add3A_172, %dma_wait3A_185] : memref<16x128xi32, #tpu.memory_space<vmem>> -> memref<1x64xi32, #tpu.memory_space<vmem>>
      %dma_wait3A_187 = tpu.memref_squeeze %dma_wait3A_186 : memref<1x64xi32, #tpu.memory_space<vmem>> -> memref<64xi32, #tpu.memory_space<vmem>>
      %dma_wait3A_188 = arith.constant 0 : i32
      %dma_wait3A_189 = arith.constant 0 : i32
      %dma_wait3A_190 = tpu.memref_slice %arg5[%dma_wait3A_188, %dma_wait3A_189] : memref<8192x256xf32, #tpu.memory_space<hbm>> -> memref<8192x256xf32, #tpu.memory_space<hbm>>
      tpu.wait_indirect_dma semaphore(%arg16 : memref<!tpu.dma_semaphore, #tpu.memory_space<semaphore_mem>>) src(%dma_wait3A_190 : memref<8192x256xf32, #tpu.memory_space<hbm>>) dst(%dma_wait3A_184 : memref<64x256xf32, #tpu.memory_space<vmem>>)
      %ge3A_191 = arith.constant 1 : i32
      %ge3A_192 = arith.cmpi sge, %add3A_172, %ge3A_191 : i32
      %convert_element_type3A_193 = arith.extui %ge3A_192 : i1 to i32
      %cond3A_194 = arith.constant 0 : i32
      %cond3A_195 = arith.cmpi ne, %convert_element_type3A_193, %cond3A_194 : i32
      scf.if %cond3A_195 {
        %sub3A_212 = arith.constant 1 : i32
        %sub3A_213 = arith.subi %add3A_172, %sub3A_212 : i32
        %mul3A_214 = arith.constant 64 : i32
        %mul3A_215 = arith.muli %sub3A_213, %mul3A_214 : i32
        %add3A_216 = arith.addi %mul3A_44, %mul3A_215 : i32
        %dma_wait3A_217 = arith.constant 0 : i32
        %dma_wait3A_218 = tpu.memref_slice %arg6[%select_n3A, %add3A_216, %dma_wait3A_217] : memref<16x2048x512xf32, #tpu.memory_space<hbm>> -> memref<1x64x512xf32, #tpu.memory_space<hbm>>
        %dma_wait3A_219 = tpu.memref_squeeze %dma_wait3A_218 : memref<1x64x512xf32, #tpu.memory_space<hbm>> -> memref<64x512xf32, #tpu.memory_space<hbm>>
        %dma_wait3A_220 = arith.constant 0 : i32
        %dma_wait3A_221 = tpu.memref_slice %arg6[%select_n3A, %add3A_216, %dma_wait3A_220] : memref<16x2048x512xf32, #tpu.memory_space<hbm>> -> memref<1x64x512xf32, #tpu.memory_space<hbm>>
        %dma_wait3A_222 = tpu.memref_squeeze %dma_wait3A_221 : memref<1x64x512xf32, #tpu.memory_space<hbm>> -> memref<64x512xf32, #tpu.memory_space<hbm>>
        tpu.wait_dma2 semaphore(%arg17 : memref<!tpu.dma_semaphore, #tpu.memory_space<semaphore_mem>>) src(%arg11 : memref<64x512xf32, #tpu.memory_space<vmem>>) dst(%dma_wait3A_222 : memref<64x512xf32, #tpu.memory_space<hbm>>)
      } else {
      }
      %add3A_196 = arith.constant 1 : i32
      %add3A_197 = arith.addi %add3A_172, %add3A_196 : i32
      %lt3A_198 = arith.constant 16 : i32
      %lt3A_199 = arith.cmpi slt, %add3A_197, %lt3A_198 : i32
      %convert_element_type3A_200 = arith.extui %lt3A_199 : i1 to i32
      %cond3A_201 = arith.constant 0 : i32
      %cond3A_202 = arith.cmpi ne, %convert_element_type3A_200, %cond3A_201 : i32
      scf.if %cond3A_202 {
        %add3A_212 = arith.constant 1 : i32
        %add3A_213 = arith.addi %add3A_172, %add3A_212 : i32
        %dma_start3A_214 = arith.constant 0 : i32
        %dma_start3A_215 = arith.constant 0 : i32
        %dma_start3A_216 = tpu.memref_slice %arg11[%dma_start3A_214, %dma_start3A_215] : memref<64x512xf32, #tpu.memory_space<vmem>> -> memref<64x256xf32, #tpu.memory_space<vmem>>
        %dma_start3A_217 = arith.constant 0 : i32
        %dma_start3A_218 = tpu.memref_slice %arg10[%add3A_213, %dma_start3A_217] : memref<16x128xi32, #tpu.memory_space<vmem>> -> memref<1x64xi32, #tpu.memory_space<vmem>>
        %dma_start3A_219 = tpu.memref_squeeze %dma_start3A_218 : memref<1x64xi32, #tpu.memory_space<vmem>> -> memref<64xi32, #tpu.memory_space<vmem>>
        %dma_start3A_220 = arith.constant 0 : i32
        %dma_start3A_221 = arith.constant 0 : i32
        %dma_start3A_222 = tpu.memref_slice %arg5[%dma_start3A_220, %dma_start3A_221] : memref<8192x256xf32, #tpu.memory_space<hbm>> -> memref<8192x256xf32, #tpu.memory_space<hbm>>
        tpu.enqueue_indirect_dma source(%dma_start3A_222 : memref<8192x256xf32, #tpu.memory_space<hbm>>) target(%dma_start3A_216 : memref<64x256xf32, #tpu.memory_space<vmem>>) offsets(%dma_start3A_219 : memref<64xi32, #tpu.memory_space<vmem>>) semaphore(%arg13 : memref<!tpu.dma_semaphore, #tpu.memory_space<semaphore_mem>>)
        %dma_start3A_223 = arith.constant 0 : i32
        %dma_start3A_224 = arith.constant 256 : i32
        %dma_start3A_225 = tpu.memref_slice %arg11[%dma_start3A_223, %dma_start3A_224] : memref<64x512xf32, #tpu.memory_space<vmem>> -> memref<64x256xf32, #tpu.memory_space<vmem>>
        %dma_start3A_226 = arith.constant 64 : i32
        %dma_start3A_227 = tpu.memref_slice %arg10[%add3A_213, %dma_start3A_226] : memref<16x128xi32, #tpu.memory_space<vmem>> -> memref<1x64xi32, #tpu.memory_space<vmem>>
        %dma_start3A_228 = tpu.memref_squeeze %dma_start3A_227 : memref<1x64xi32, #tpu.memory_space<vmem>> -> memref<64xi32, #tpu.memory_space<vmem>>
        %dma_start3A_229 = arith.constant 0 : i32
        %dma_start3A_230 = arith.constant 0 : i32
        %dma_start3A_231 = tpu.memref_slice %arg5[%dma_start3A_229, %dma_start3A_230] : memref<8192x256xf32, #tpu.memory_space<hbm>> -> memref<8192x256xf32, #tpu.memory_space<hbm>>
        tpu.enqueue_indirect_dma source(%dma_start3A_231 : memref<8192x256xf32, #tpu.memory_space<hbm>>) target(%dma_start3A_225 : memref<64x256xf32, #tpu.memory_space<vmem>>) offsets(%dma_start3A_228 : memref<64xi32, #tpu.memory_space<vmem>>) semaphore(%arg14 : memref<!tpu.dma_semaphore, #tpu.memory_space<semaphore_mem>>)
      } else {
      }
      %mul3A_203 = arith.constant 64 : i32
      %mul3A_204 = arith.muli %add3A_172, %mul3A_203 : i32
      %add3A_205 = arith.addi %mul3A_44, %mul3A_204 : i32
      %dma_start3A_206 = arith.constant 0 : i32
      %dma_start3A_207 = tpu.memref_slice %arg6[%select_n3A, %add3A_205, %dma_start3A_206] : memref<16x2048x512xf32, #tpu.memory_space<hbm>> -> memref<1x64x512xf32, #tpu.memory_space<hbm>>
      %dma_start3A_208 = tpu.memref_squeeze %dma_start3A_207 : memref<1x64x512xf32, #tpu.memory_space<hbm>> -> memref<64x512xf32, #tpu.memory_space<hbm>>
      %dma_start3A_209 = arith.constant 0 : i32
      %dma_start3A_210 = tpu.memref_slice %arg6[%select_n3A, %add3A_205, %dma_start3A_209] : memref<16x2048x512xf32, #tpu.memory_space<hbm>> -> memref<1x64x512xf32, #tpu.memory_space<hbm>>
      %dma_start3A_211 = tpu.memref_squeeze %dma_start3A_210 : memref<1x64x512xf32, #tpu.memory_space<hbm>> -> memref<64x512xf32, #tpu.memory_space<hbm>>
      tpu.enqueue_dma source(%arg12 : memref<64x512xf32, #tpu.memory_space<vmem>>) target(%dma_start3A_211 : memref<64x512xf32, #tpu.memory_space<hbm>>) target_semaphore(%arg18 : memref<!tpu.dma_semaphore, #tpu.memory_space<semaphore_mem>>)
    }
    %scan3A_119 = arith.constant 8 : i32
    %add3A_120 = arith.constant 960 : i32
    %add3A_121 = arith.addi %mul3A_44, %add3A_120 : i32
    %dma_wait3A_122 = arith.constant 0 : i32
    %dma_wait3A_123 = tpu.memref_slice %arg6[%select_n3A, %add3A_121, %dma_wait3A_122] : memref<16x2048x512xf32, #tpu.memory_space<hbm>> -> memref<1x64x512xf32, #tpu.memory_space<hbm>>
    %dma_wait3A_124 = tpu.memref_squeeze %dma_wait3A_123 : memref<1x64x512xf32, #tpu.memory_space<hbm>> -> memref<64x512xf32, #tpu.memory_space<hbm>>
    %dma_wait3A_125 = arith.constant 0 : i32
    %dma_wait3A_126 = tpu.memref_slice %arg6[%select_n3A, %add3A_121, %dma_wait3A_125] : memref<16x2048x512xf32, #tpu.memory_space<hbm>> -> memref<1x64x512xf32, #tpu.memory_space<hbm>>
    %dma_wait3A_127 = tpu.memref_squeeze %dma_wait3A_126 : memref<1x64x512xf32, #tpu.memory_space<hbm>> -> memref<64x512xf32, #tpu.memory_space<hbm>>
    tpu.wait_dma2 semaphore(%arg18 : memref<!tpu.dma_semaphore, #tpu.memory_space<semaphore_mem>>) src(%arg12 : memref<64x512xf32, #tpu.memory_space<vmem>>) dst(%dma_wait3A_127 : memref<64x512xf32, #tpu.memory_space<hbm>>)
    return
  }
}

</mosaic_0001>

<sc_bundles>
// kernel: kernel.3.cloned.1.call-start
scs
__scs_entry_jumppad:
0x0: {  	(pc) =	sbr.rel $0x88, $3  }
0x1: {  	(tag) =	ssettag $0x0;
	lr =	simm.s32 $0x1  }
0x2: {  	[smem:$0x3F9D] =	sst lr;
	_ =	strace $0xD0000000  }
0x3: {  	_ = 	snop  }
0x4: {  	_ = 	snop  }
0x5: {  	_ = 	snop  }
0x6: {  	_ = 	snop  }
0x7: {  	_ = 	snop  }
__scs_overlays_trampoline_lowered:
0x8: {  	[smem:$0x3FAC] =	sst s0  }
0x9: {  	[smem:$0x3FAD] =	sst s1  }
0xa: {  	[smem:$0x3FAE] =	sst s2  }
0xb: {  	[smem:$0x3FAF] =	sst s3  }
0xc: {  	[smem:$0x3FB0] =	sst s4  }
0xd: {  	[smem:$0x3FB1] =	sst s5  }
0xe: {  	[smem:$0x3FB2] =	sst s6  }
0xf: {  	[smem:$0x3FB3] =	sst s7  }
0x10: {  	[smem:$0x3FB4] =	sst s8  }
0x11: {  	[smem:$0x3FB5] =	sst s9;
	s0 =	simm.s32 @!p0 $0x0  }
0x12: {  	s1 =	sld [smem:$0x3F9B];
	s0 =	simm.s32 @p0 $0x1  }
0x13: {  	[smem:$0x3FB6] =	sst s0;
	s0 =	simm.s32 @!p1 $0x0  }
0x14: {  	s2 =	sld [smem:$0x3F9A];
	s0 =	simm.s32 @p1 $0x1  }
0x15: {  	[smem:$0x3FB7] =	sst s0;
	s0 =	simm.s32 @!p2 $0x0  }
0x16: {  	s3 =	sld [smem:$0x3FDB];
	s0 =	simm.s32 @p2 $0x1  }
0x17: {  	s4 =	simm.s32 $0x1BF5;
	[smem:$0x3FB9] =	sst s0  }
0x18: {  	s0 =	sld [smem:$0x3F9C];
	_ =	swait.ge [sflag:s4], $0x0  }
0x19: {  	s7 =	sld [smem:$0x3F9D]  }
0x1a: {  	s8 =	sadd.s32 $0xFFFFE003, lr  }
0x1b: {  	s9 =	sadd.s32 $0xFFFFFEF7, lr;
	s5 =	simm.s32 $0xFFFFFFFF;
	p2 =	slt.u32 s8, $0xFFFFF086  }
0x1c: {  	p1 =	slt.u32 s9, $0xF7A;
	s5 =	simm.s32 @!p2 $0x0  }
0x1d: {  	s5 =	simm.s32 @p1 $0x1;
	p0 =	seq.s32 s7, s2  }
0x1e: {  	s7 =	smul.u32 @!p0 $0xF7A, s2;
	p2 =	seq.s32 @!p0 s5, $0x0  }
0x1f: {  	s9 =	smul.u32 $0xF7A, s1;
	s8 =	simm.s32 @!p0 $0x1BF5;
	p2 =	por !p2, p0  }
0x20: {  	[sflag:s8] =	ssyncset.s32 @!p0 $0xFFFFF086;
	s6 =	sadd.s32 @!p0 s3, s7;
	s7 =	simm.s32 @!p0 $0x108  }
0x21: {  	s3 =	sadd.s32 s3, s9;
	s6 =	sadd.s32 @!p0 $0x88, s6;
	s7 =	simm.s32 @p2 $0x1082  }
0x22: {  	[simem:s7], [sflag:s8] =	dma.local @!p0 [hbm:s6], $0xF7A  }
0x23: {  	s9 =	sor.u32 $0xD0000000, s2;
	s6 =	simm.s32 $0x108;
	_ =	swait.ge @!p0 [sflag:s8], $0x0  }
0x24: {  	s3 =	sadd.s32 $0x88, s3;
	s6 =	simm.s32 @!p1 $0x1082;
	[sflag:s4] =	ssyncset.s32 $0xFFFFF086  }
0x25: {  	[simem:s6], [sflag:s4] =	dma.local [hbm:s3], $0xF7A  }
0x26: {  	[smem:$0x3F9D] =	sst s1;
	(tag) =	ssettag s2;
	_ =	strace s9  }
0x27: {  	s1 =	sld [smem:$0x3FAD]  }
0x28: {  	s2 =	sld [smem:$0x3FAE]  }
0x29: {  	s4 =	sld [smem:$0x3FB0]  }
0x2a: {  	p0 =	seq.s32 s5, $0x0;
	s5 =	sld [smem:$0x3FB1]  }
0x2b: {  	s6 =	sld [smem:$0x3FB2]  }
0x2c: {  	s7 =	sld [smem:$0x3FB3]  }
0x2d: {  	s3 =	simm.s32 $0x108;
	s8 =	sld [smem:$0x3FB4]  }
0x2e: {  	s3 =	simm.s32 @!p0 $0x1082;
	s9 =	sld [smem:$0x3FB5]  }
0x2f: {  	lr =	sadd.s32 s0, s3;
	s0 =	sld [smem:$0x3FAC]  }
0x30: {  	s3 =	sld [smem:$0x3FAF]  }
0x31: {  	[smem:$0x3FB8] =	sst s10  }
0x32: {  	s10 =	sld [smem:$0x3FB6];
	_ =	sdelay $0x3  }
0x33: {  	p0 =	seq.s32 s10, $0x1;
	s10 =	sld [smem:$0x3FB8];
	_ =	sdelay $0x3  }
0x34: {  	[smem:$0x3FB8] =	sst s10  }
0x35: {  	s10 =	sld [smem:$0x3FB7];
	_ =	sdelay $0x3  }
0x36: {  	p1 =	seq.s32 s10, $0x1;
	s10 =	sld [smem:$0x3FB8];
	_ =	sdelay $0x3  }
0x37: {  	[smem:$0x3FB8] =	sst s10  }
0x38: {  	s10 =	sld [smem:$0x3FB9]  }
0x39: {  	_ = 	snop;
	(pc) =	sbr.ind lr, $3  }
0x3a: {  	_ = 	snop  }
0x3b: {  	_ = 	snop  }
0x3c: {  	p2 =	seq.s32 s10, $0x1;
	s10 =	sld [smem:$0x3FB8]  }
0x3d: {  	_ =	shalt  }
0x3e: {  	_ =	shalt  }
0x3f: {  	_ =	shalt  }
0x40: {  	_ =	shalt  }
0x41: {  	_ =	shalt  }
0x42: {  	_ =	shalt  }
0x43: {  	_ =	shalt  }
0x44: {  	_ =	shalt  }
0x45: {  	_ =	shalt  }
0x46: {  	_ =	shalt  }
0x47: {  	_ =	shalt  }
0x48: {  	_ =	shalt  }
0x49: {  	_ =	shalt  }
0x4a: {  	_ =	shalt  }
0x4b: {  	_ =	shalt  }
0x4c: {  	_ =	shalt  }
0x4d: {  	_ =	shalt  }
0x4e: {  	_ =	shalt  }
0x4f: {  	_ =	shalt  }
0x50: {  	_ =	shalt  }
0x51: {  	_ =	shalt  }
0x52: {  	_ =	shalt  }
0x53: {  	_ =	shalt  }
0x54: {  	_ =	shalt  }
0x55: {  	_ =	shalt  }
0x56: {  	_ =	shalt  }
0x57: {  	_ =	shalt  }
0x58: {  	_ =	shalt  }
0x59: {  	_ =	shalt  }
0x5a: {  	_ =	shalt  }
0x5b: {  	_ =	shalt  }
0x5c: {  	_ =	shalt  }
0x5d: {  	_ =	shalt  }
0x5e: {  	_ =	shalt  }
0x5f: {  	_ =	shalt  }
0x60: {  	_ =	shalt  }
0x61: {  	_ =	shalt  }
0x62: {  	_ =	shalt  }
0x63: {  	_ =	shalt  }
0x64: {  	_ =	shalt  }
0x65: {  	_ =	shalt  }
0x66: {  	_ =	shalt  }
0x67: {  	_ =	shalt  }
0x68: {  	_ =	shalt  }
0x69: {  	_ =	shalt  }
0x6a: {  	_ =	shalt  }
0x6b: {  	_ =	shalt  }
0x6c: {  	_ =	shalt  }
0x6d: {  	_ =	shalt  }
0x6e: {  	_ =	shalt  }
0x6f: {  	_ =	shalt  }
0x70: {  	_ =	shalt  }
0x71: {  	_ =	shalt  }
0x72: {  	_ =	shalt  }
0x73: {  	_ =	shalt  }
0x74: {  	_ =	shalt  }
0x75: {  	_ =	shalt  }
0x76: {  	_ =	shalt  }
0x77: {  	_ =	shalt  }
0x78: {  	_ =	shalt  }
0x79: {  	_ =	shalt  }
0x7a: {  	_ =	shalt  }
0x7b: {  	_ =	shalt  }
0x7c: {  	_ =	shalt  }
0x7d: {  	_ =	shalt  }
0x7e: {  	_ =	shalt  }
0x7f: {  	_ =	shalt  }
0x80: {  	_ =	shalt  }
0x81: {  	_ =	shalt  }
0x82: {  	_ =	shalt  }
0x83: {  	_ =	shalt  }
0x84: {  	_ =	shalt  }
0x85: {  	_ =	shalt  }
0x86: {  	_ =	shalt  }
0x87: {  	_ =	shalt  }
.Lfunc_end0:
.L_simem_size_0:
called_computation_lowered:
.L_overlay_start_0:
0x88: {  	s2 =	sld [smem:$0x3FD9]  }
0x89: {  	s3 =	sld [smem:$0x3FFE];
	_ =	sdelay $0x1  }
0x8a: {  	s1 =	srdreg.scid  }
0x8b: {  	s0 =	sand.u32 $0x1, s1  }
0x8c: {  	s18 =	sshll.u32 s0, $0xA;
	s2 =	sadd.s32 s3, s2  }
0x8d: {  	s2 =	sadd.s32 s2, s18  }
0x8e: {  	[smem:$0x3FC4] =	sst s2  }
0x8f: {  	_ = 	snop  }
0x90: {  	s2 =	sld [smem:$0x3FC9]  }
0x91: {  	s19 =	sld [smem:$0x3FC8]  }
0x92: {  	s4 =	sld [smem:$0x3FC7]  }
0x93: {  	s5 =	sld [smem:$0x3FC6]  }
0x94: {  	s6 =	sld [smem:$0x3FD0];
	(tm) =	ssettm $0x1  }
0x95: {  	s7 =	sld [smem:$0x3FFB];
	_ =	sdelay $0x3  }
0x96: {  	_ =	strace s7  }
0x97: {  	s7 =	sld [smem:$0x3FFC];
	_ =	sdelay $0x3  }
0x98: {  	_ =	strace s7  }
0x99: {  	s7 =	sld [smem:$0x3FFD];
	_ =	sdelay $0x3  }
0x9a: {  	_ =	strace s7  }
0x9b: {  	_ =	strace $0x8FFFFFFF  }
0x9c: {  	s20 =	sld [smem:$0x3FDB];
	_ =	sdelay $0x1  }
0x9d: {  	s8 =	simm.s32 $_scs_section_size  }
0x9e: {  	s9 =	simm.s32 $_size__tile_overlayer_lowered;
	s10 =	simm.s32 $_tile_overlayer_lowered  }
0x9f: {  	s23 =	simm.s32 $0x1BFF;
	s22 =	sshll.u32 s10, $0x1;
	s7 =	sadd.s32 s8, s20  }
0xa0: {  	s11 =	simm.s32 $0x0;
	s21 =	sshll.u32 s9, $0x1;
	s9 =	sadd.s32 s22, s7  }
0xa1: {  	[timem:s11], [sflag:s23] =	dma.local [hbm:s9], s21  }
0xa2: {  	_ =	swait.ge [sflag:s23], s21  }
0xa3: {  	s8 =	ssub.s32 $0x0, s21;
	[sflag:s23] =	ssyncset.done $0x0  }
0xa4: {  	[sflag:s23] =	ssyncadd.s32 s8;
	_ =	sdelay $0x1  }
0xa5: {  	s24 =	simm.s32 $0x1B8B  }
0xa6: {  	_ =	swait.ge [sflag:s24], $0x1  }
0xa7: {  	[sflag:s24] =	ssyncset.done $0x0  }
0xa8: {  	s25 =	simm.s32 $0x1B8E;
	[sflag:s24] =	ssyncadd.s32 $0xFFFFFFFF  }
0xa9: {  	s26 =	simm.s32 $execute0_lowered;
	[smem:$0x3FD2] =	sst s25  }
0xaa: {  	s8 =	sshll.u32 s26, $0x1;
	_ =	strace $0x80000046;
	[dreg:$0x1] =	wrdreg $0xFFFFFFFF  }
0xab: {  	s28 =	simm.s32 $_size_execute0_lowered;
	s7 =	sadd.s32 s7, s8;
	[dreg:$0x0] =	wrdreg $0x0  }
0xac: {  	s8 =	sshll.u32 s28, $0x1;
	[dreg:$0x2] =	wrdreg s7  }
0xad: {  	[dreg:$0x3] =	wrdreg s8  }
0xae: {  	[dreg:$0x4] =	wrdreg $0xC0  }
0xaf: {  	_ =	task [dreg:s11], $0x5FFFF  }
0xb0: {  	[dreg:$0x1] =	wrdreg $0xFFFFFFFF  }
0xb1: {  	[dreg:$0x0] =	wrdreg $0x60  }
0xb2: {  	[dreg:$0x2] =	wrdreg s2  }
0xb3: {  	[dreg:$0x3] =	wrdreg s19  }
0xb4: {  	[dreg:$0x4] =	wrdreg s4  }
0xb5: {  	[dreg:$0x5] =	wrdreg s5  }
0xb6: {  	[dreg:$0x6] =	wrdreg s6  }
0xb7: {  	[dreg:$0x7] =	wrdreg $0x9  }
0xb8: {  	_ =	task.clear_ibuf [dreg:s11], $0x8FFFF;
	_ =	strace $0x90000046  }
0xb9: {  	s29 =	simm.s32 $0x9;
	_ =	strace $0x80000048  }
0xba: {  	_ =	swait.ge [sflag:s29], $0x1  }
0xbb: {  	[sflag:s29] =	ssyncadd.s32 $0xFFFFFFFF  }
0xbc: {  	_ =	strace $0x90000048  }
0xbd: {  	_ =	sfence  }
0xbe: {  	s30 =	sld [smem:$0x0];
	_ =	sdelay $0x2  }
0xbf: {  	s31 =	sshll.u32 s1, $0xD;
	s1 =	sshrl.u32 s1, $0x2  }
0xc0: {  	s3 =	sand.u32 $0x4000, s31;
	s1 =	sadd.s32 s1, s30  }
0xc1: {  	s0 =	sor.u32 s3, s0;
	s1 =	sshll.u32 s1, $0x11  }
0xc2: {  	s0 =	sor.u32 s1, s0  }
0xc3: {  	s0 =	sadd.s32 $0x8F2B, s0  }
0xc4: {  	[sflag:s0] =	ssyncadd.remote.s32 $0x1  }
0xc5: {  	_ =	sfence.sel $0xFFFF  }
0xc6: {  	[dreg:$0x0] =	wrdreg $0xFFFFFFFF;
	(pc) =	sbr.abs _section_cstart, $3  }
0xc7: {  	[dreg:$0x1] =	wrdreg $0xFFFFFFFF  }
0xc8: {  	_ =	task.clear_ibuf [dreg:s11], $0x2FFFF;
	_ =	strace $0x9FFFFFFF  }
0xc9: {  	(tm) =	ssettm $0x7FFFFFFF  }
tec
execute0_lowered:
.L_overlay_start_1:
0x0: {  	(tag) =	ssettag $0x1  }
0x1: {  	s1 =	rddreg [dreg:$0x2]  }
0x2: {  	s0 =	srdreg.scid;
	s4 =	rddreg [dreg:$0x3]  }
0x3: {  	s6 =	stileid.u32;
	s3 =	rddreg [dreg:$0x4]  }
0x4: {  	s5 =	simm.s32 $0x0;
	s14 =	simm.s32 $0x2;
	s15 =	simm.s32 $0x3  }
0x5: {  	s16 =	simm.s32 $0xD00;
	s31 =	simm.s32 $0x1D00;
	s12 =	simm.s32 $0xBD00  }
0x6: {  	s13 =	simm.s32 $0xCD00;
	s11 =	simm.s32 $0xFD00;
	s0 =	sand.u32 $0x1, s0  }
0x7: {  	s17 =	simm.s32 $0x9500;
	s18 =	simm.s32 $0xA500;
	s2 =	sor.u32 s0, s6  }
0x8: {  	s19 =	simm.s32 $0xB500;
	p1 =	seq.s32 s0, $0x1;
	p0 =	seq.s32 s2, $0x0  }
0x9: {  	s29 =	simm.s32 $0x0;
	[smem:$0x7FF] =	sst s5;
	p0 =	por !p0, !p1  }
0xa: {  	_ =	strace $0x80000047;
	s2 =	simm.s32 $0x1;
	p0 =	por !p0, !p0  }
0xb: {  	s20 =	ssub.s32 $0x2, s0;
	s21 =	sshll.u32 s0, $0x13;
	s2 =	simm.s32 @!p0 $0x0  }
0xc: {  	s0 =	sshll.u32 s0, $0xD;
	s9 =	sshrl.u32 s20, $0x1;
	s23 =	ssub.s32 s6, s2  }
0xd: {  	s2 =	ssub.s32 s20, s9;
	s6 =	simm.s32 $0x1;
	s20 =	simm.s32 $0xC500  }
0xe: {  	s7 =	sshll.u32 s23, $0xB;
	s8 =	sshll.u32 s23, $0x7;
	s24 =	sshll.u32 s23, $0x14  }
0xf: {  	s28 =	smax.u32 s2, $0x1;
	s2 =	simm.s32 $0xAD00;
	v0 =	vmov s23;
	s23 =	simm.s32 $0xF500  }
0x10: {  	s7 =	sand.u32 $0xFFFFC000, s7;
	s22 =	sand.u32 $0x380, s8;
	s25 =	sor.u32 s21, s24  }
0x11: {  	[dreg:$0x7] =	wrdreg s28;
	s21 =	simm.s32 $0xD500;
	s24 =	simm.s32 $0x10500  }
0x12: {  	s0 =	sor.u32 s0, s7;
	s8 =	sor.u32 $0x8000, s25;
	s30 =	sshrl.u32 s25, $0x3  }
.Ltmp0:
0x13: {  	s7 =	simm.s32 $0xDD00;
	s25 =	simm.s32 $0x4;
	(pc) =	sbr.rel .LBB2_1-.Ltmp0, $4  }
0x14: {  	s0 =	sor.u32 s22, s0;
	s26 =	sshrl.u32 s8, $0x3;
	s10 =	sadd.s32 s30, s3  }
0x15: {  	v3 =	vlaneseq.u32;
	s8 =	simm.s32 $0xED00;
	s22 =	simm.s32 $0xE500;
	s0 =	sshrl.u32 s0, $0x3  }
0x16: {  	vm0 =	vmmov $0xffff;
	v2 =	vshrl.u32 v3, $0x3;
	s9 =	sadd.s32 s26, s3;
	s26 =	simm.s32 $0x5;
	s0 =	sadd.s32 s1, s0  }
0x17: {  	v1 =	vand.u32 $0x7, v3;
	v3 =	vor.u32 $0x8, v3;
	v2 =	vmul.u32 $0x8, v2;
	s1 =	simm.s32 $0x9D00;
	[dreg:$0x6] =	wrdreg s0;
	s0 =	simm.s32 $0x8D00  }
.LBB2_7:
0x18: {  	s28 =	simm.s32 $0x6  }
0x19: {  	_ =	swait.ge [sflag:s28], $0x8000  }
0x1a: {  	s29 =	rddreg [dreg:$0x8]  }
0x1b: {  	s3 =	rddreg [dreg:$0x7];
	s29 =	sadd.s32 $0x1, s29  }
0x1c: {  	p0 =	sne.s32 s29, s3  }
.Ltmp1:
0x1d: {  	_ = 	snop;
	(pc) =	sbr.rel @!p0 .LBB2_8-.Ltmp1, $3  }
0x1e: {  	_ =	sdelay $0x1  }
0x1f: {  	[sflag:s28] =	ssyncset.done $0x0  }
0x20: {  	[sflag:s28] =	ssyncadd.s32 $0xFFFF8000  }
.LBB2_1:
0x21: {  	[dreg:$0x8] =	wrdreg s29  }
0x22: {  	s3 =	rddreg [dreg:$0x0]  }
0x23: {  	[tilespmem:s5], [sflag:$0x1] =	stream.linear.gather [hbm4b:s3+s5], $0x80, $0x38;
	[tilespmem:$0x10D00] =	vst v63  }
0x24: {  	s29 =	rddreg [dreg:$0x1];
	s28 =	simm.s32 $0x80  }
0x25: {  	[tilespmem:s28], [sflag:$0x2] =	stream.linear.gather [hbm4b:s29+s5], $0x80, $0x38;
	[tilespmem:$0x10D00] =	vst v63  }
0x26: {  	s30 =	simm.s32 $0x100;
	s3 =	rddreg [dreg:$0x6];
	s29 =	simm.s32 $0x400  }
0x27: {  	[tilespmem:s30], [sflag:$0x3] =	stream.strided.gather [hbm4b:s3+s28], $0x400, s29, s28, $0x38;
	[tilespmem:$0x10D00] =	vst v63  }
0x28: {  	_ =	swait.ge [sflag:s6], $0x80  }
0x29: {  	[sflag:s6] =	ssyncset.done $0x0  }
0x2a: {  	[sflag:s6] =	ssyncadd.s32 $0xFFFFFF80  }
0x2b: {  	_ =	swait.ge [sflag:s14], $0x80  }
0x2c: {  	[sflag:s14] =	ssyncset.done $0x0  }
0x2d: {  	[sflag:s14] =	ssyncadd.s32 $0xFFFFFF80  }
0x2e: {  	_ =	swait.ge [sflag:s15], $0x400  }
0x2f: {  	[sflag:s15] =	ssyncset.done $0x0  }
0x30: {  	[sflag:s15] =	ssyncadd.s32 $0xFFFFFC00  }
0x31: {  	v4 =	vld.idx.msk [tilespmem:v0+s5+$0x0], $0xffff  }
0x32: {  	v5 =	vld [tilespmem:$0x100];
	_ =	sdelay $0x1  }
0x33: {  	v6 =	vld.idx.msk [tilespmem:v0+s28+$0x0], $0xffff  }
0x34: {  	v7 =	vld [tilespmem:$0x110];
	_ =	sdelay $0x1  }
0x35: {  	v8 =	vadd.s32 v4, v5  }
0x36: {  	v9 =	vld [tilespmem:$0x120];
	v10 =	vshll.u32 v8, $0x1  }
0x37: {  	v5 =	vadd.s32 $0xFFFFFFFF, v6;
	v6 =	vand.u32 $0x7, v8;
	v10 =	vand.u32 $0xFFFFFFF0, v10  }
0x38: {  	v62 =	vld [tilespmem:$0x130];
	v7 =	vadd.s32 v4, v7;
	[tilespmem:$0x500] =	vst v8;
	v6 =	vor.u32 v6, v10  }
0x39: {  	v8 =	vsub.s32 v5, v8;
	[tilespmem:$0x510] =	vst v7;
	v63 =	vperm.xlane v6, v1  }
0x3a: {  	v7 =	vsub.s32 v5, v7;
	[tilespmem:$0x540] =	vst v8  }
0x3b: {  	[tilespmem:$0x550] =	vst v7;
	v7 =	vadd.s32 v4, v9;
	v6 =	vperm.xlane v6, v3;
	v8 =	vadd.s32 v2, v63  }
0x3c: {  	[tilespmem:$0x520] =	vst v7;
	v7 =	vsub.s32 v5, v7  }
0x3d: {  	[tilespmem:$0x560] =	vst v7;
	v7 =	vadd.s32 v4, v62;
	v6 =	vadd.s32 v2, v6  }
0x3e: {  	[tilespmem:$0x530] =	vst v7;
	v7 =	vsub.s32 v5, v7  }
0x3f: {  	[tilespmem:$0x570] =	vst v7  }
0x40: {  	[tilespmem:s16], [sflag:$0x1] =	stream.indirect_vreg.gather [hbm4b:s4+s5], $0x80, v8, vm0, $0xb8;
	[tilespmem:$0x10D00] =	vst v63  }
0x41: {  	_ = 	snop  }
0x42: {  	[tilespmem:s31], [sflag:$0x1] =	stream.indirect_vreg.gather [hbm4b:s4+s5], $0x80, v6, vm0, $0xb8;
	[tilespmem:$0x10D00] =	vst v63  }
0x43: {  	v6 =	vld [tilespmem:$0x510];
	_ =	sdelay $0x4  }
0x44: {  	v7 =	vshll.u32 v6, $0x1  }
0x45: {  	v6 =	vand.u32 $0x7, v6;
	v7 =	vand.u32 $0xFFFFFFF0, v7  }
0x46: {  	v6 =	vor.u32 v6, v7  }
0x47: {  	v7 =	vperm.xlane v6, v1;
	_ =	sdelay $0x1  }
0x48: {  	v6 =	vperm.xlane v6, v3;
	v7 =	vadd.s32 v2, v7;
	_ =	sdelay $0x1  }
0x49: {  	v6 =	vadd.s32 v2, v6;
	_ =	sdelay $0x1  }
0x4a: {  	s29 =	simm.s32 $0x2D00  }
0x4b: {  	[tilespmem:s29], [sflag:$0x1] =	stream.indirect_vreg.gather [hbm4b:s4+s5], $0x80, v7, vm0, $0xb8;
	[tilespmem:$0x10D00] =	vst v63  }
0x4c: {  	s29 =	simm.s32 $0x3D00  }
0x4d: {  	[tilespmem:s29], [sflag:$0x1] =	stream.indirect_vreg.gather [hbm4b:s4+s5], $0x80, v6, vm0, $0xb8;
	[tilespmem:$0x10D00] =	vst v63  }
0x4e: {  	v6 =	vld [tilespmem:$0x520];
	_ =	sdelay $0x4  }
0x4f: {  	v7 =	vshll.u32 v6, $0x1  }
0x50: {  	v6 =	vand.u32 $0x7, v6;
	v7 =	vand.u32 $0xFFFFFFF0, v7  }
0x51: {  	v6 =	vor.u32 v6, v7  }
0x52: {  	v7 =	vperm.xlane v6, v1;
	_ =	sdelay $0x1  }
0x53: {  	v6 =	vperm.xlane v6, v3;
	v7 =	vadd.s32 v2, v7;
	_ =	sdelay $0x1  }
0x54: {  	v6 =	vadd.s32 v2, v6;
	_ =	sdelay $0x1  }
0x55: {  	s29 =	simm.s32 $0x4D00  }
0x56: {  	[tilespmem:s29], [sflag:$0x1] =	stream.indirect_vreg.gather [hbm4b:s4+s5], $0x80, v7, vm0, $0xb8;
	[tilespmem:$0x10D00] =	vst v63  }
0x57: {  	s29 =	simm.s32 $0x5D00  }
0x58: {  	[tilespmem:s29], [sflag:$0x1] =	stream.indirect_vreg.gather [hbm4b:s4+s5], $0x80, v6, vm0, $0xb8;
	[tilespmem:$0x10D00] =	vst v63  }
0x59: {  	v6 =	vld [tilespmem:$0x530];
	_ =	sdelay $0x4  }
0x5a: {  	v7 =	vshll.u32 v6, $0x1  }
0x5b: {  	v6 =	vand.u32 $0x7, v6;
	v7 =	vand.u32 $0xFFFFFFF0, v7  }
0x5c: {  	v6 =	vor.u32 v6, v7  }
0x5d: {  	v7 =	vperm.xlane v6, v1;
	_ =	sdelay $0x1  }
0x5e: {  	v6 =	vperm.xlane v6, v3;
	v7 =	vadd.s32 v2, v7;
	_ =	sdelay $0x1  }
0x5f: {  	v6 =	vadd.s32 v2, v6;
	_ =	sdelay $0x1  }
0x60: {  	s29 =	simm.s32 $0x6D00  }
0x61: {  	[tilespmem:s29], [sflag:$0x1] =	stream.indirect_vreg.gather [hbm4b:s4+s5], $0x80, v7, vm0, $0xb8;
	[tilespmem:$0x10D00] =	vst v63  }
0x62: {  	s29 =	simm.s32 $0x7D00  }
0x63: {  	[tilespmem:s29], [sflag:$0x1] =	stream.indirect_vreg.gather [hbm4b:s4+s5], $0x80, v6, vm0, $0xb8;
	[tilespmem:$0x10D00] =	vst v63  }
0x64: {  	v6 =	vld [tilespmem:$0x540];
	_ =	sdelay $0x4  }
0x65: {  	v7 =	vshll.u32 v6, $0x1  }
0x66: {  	v6 =	vand.u32 $0x7, v6;
	v7 =	vand.u32 $0xFFFFFFF0, v7  }
0x67: {  	v6 =	vor.u32 v6, v7  }
0x68: {  	v7 =	vperm.xlane v6, v1;
	_ =	sdelay $0x1  }
0x69: {  	v6 =	vperm.xlane v6, v3;
	v7 =	vadd.s32 v2, v7;
	_ =	sdelay $0x1  }
0x6a: {  	v6 =	vadd.s32 v2, v6;
	_ =	sdelay $0x1  }
0x6b: {  	s29 =	simm.s32 $0x1500  }
0x6c: {  	[tilespmem:s29], [sflag:$0x2] =	stream.indirect_vreg.gather [hbm4b:s4+s5], $0x80, v7, vm0, $0xb8;
	[tilespmem:$0x10D00] =	vst v63  }
0x6d: {  	s29 =	simm.s32 $0x2500  }
0x6e: {  	[tilespmem:s29], [sflag:$0x2] =	stream.indirect_vreg.gather [hbm4b:s4+s5], $0x80, v6, vm0, $0xb8;
	[tilespmem:$0x10D00] =	vst v63  }
0x6f: {  	v6 =	vld [tilespmem:$0x550];
	_ =	sdelay $0x4  }
0x70: {  	v7 =	vshll.u32 v6, $0x1  }
0x71: {  	v6 =	vand.u32 $0x7, v6;
	v7 =	vand.u32 $0xFFFFFFF0, v7  }
0x72: {  	v6 =	vor.u32 v6, v7  }
0x73: {  	v7 =	vperm.xlane v6, v1;
	_ =	sdelay $0x1  }
0x74: {  	v6 =	vperm.xlane v6, v3;
	v7 =	vadd.s32 v2, v7;
	_ =	sdelay $0x1  }
0x75: {  	v6 =	vadd.s32 v2, v6;
	_ =	sdelay $0x1  }
0x76: {  	s29 =	simm.s32 $0x3500  }
0x77: {  	[tilespmem:s29], [sflag:$0x2] =	stream.indirect_vreg.gather [hbm4b:s4+s5], $0x80, v7, vm0, $0xb8;
	[tilespmem:$0x10D00] =	vst v63  }
0x78: {  	s29 =	simm.s32 $0x4500  }
0x79: {  	[tilespmem:s29], [sflag:$0x2] =	stream.indirect_vreg.gather [hbm4b:s4+s5], $0x80, v6, vm0, $0xb8;
	[tilespmem:$0x10D00] =	vst v63  }
0x7a: {  	v6 =	vld [tilespmem:$0x560];
	_ =	sdelay $0x4  }
0x7b: {  	v7 =	vshll.u32 v6, $0x1  }
0x7c: {  	v6 =	vand.u32 $0x7, v6;
	v7 =	vand.u32 $0xFFFFFFF0, v7  }
0x7d: {  	v6 =	vor.u32 v6, v7  }
0x7e: {  	v7 =	vperm.xlane v6, v1;
	_ =	sdelay $0x1  }
0x7f: {  	v6 =	vperm.xlane v6, v3;
	v7 =	vadd.s32 v2, v7;
	_ =	sdelay $0x1  }
0x80: {  	v6 =	vadd.s32 v2, v6;
	_ =	sdelay $0x1  }
0x81: {  	s29 =	simm.s32 $0x5500  }
0x82: {  	[tilespmem:s29], [sflag:$0x2] =	stream.indirect_vreg.gather [hbm4b:s4+s5], $0x80, v7, vm0, $0xb8;
	[tilespmem:$0x10D00] =	vst v63  }
0x83: {  	s29 =	simm.s32 $0x6500  }
0x84: {  	[tilespmem:s29], [sflag:$0x2] =	stream.indirect_vreg.gather [hbm4b:s4+s5], $0x80, v6, vm0, $0xb8;
	[tilespmem:$0x10D00] =	vst v63  }
0x85: {  	v6 =	vld [tilespmem:$0x570];
	_ =	sdelay $0x4  }
0x86: {  	v7 =	vshll.u32 v6, $0x1  }
0x87: {  	v6 =	vand.u32 $0x7, v6;
	v7 =	vand.u32 $0xFFFFFFF0, v7  }
0x88: {  	v6 =	vor.u32 v6, v7  }
0x89: {  	v7 =	vperm.xlane v6, v1;
	_ =	sdelay $0x1  }
0x8a: {  	v6 =	vperm.xlane v6, v3;
	v7 =	vadd.s32 v2, v7;
	_ =	sdelay $0x1  }
0x8b: {  	v6 =	vadd.s32 v2, v6;
	_ =	sdelay $0x1  }
0x8c: {  	s29 =	simm.s32 $0x7500  }
0x8d: {  	[tilespmem:s29], [sflag:$0x2] =	stream.indirect_vreg.gather [hbm4b:s4+s5], $0x80, v7, vm0, $0xb8;
	[tilespmem:$0x10D00] =	vst v63  }
0x8e: {  	s29 =	simm.s32 $0x8500  }
0x8f: {  	[tilespmem:s29], [sflag:$0x2] =	stream.indirect_vreg.gather [hbm4b:s4+s5], $0x80, v6, vm0, $0xb8;
	[tilespmem:$0x10D00] =	vst v63  }
0x90: {  	s29 =	simm.s32 $0x170  }
0x91: {  	v6 =	vld [tilespmem:s29+$0xFFFFFFD0];
	_ =	sdelay $0x4  }
0x92: {  	s30 =	simm.s32 $0x5F0;
	v6 =	vadd.s32 v4, v6  }
0x93: {  	v7 =	vsub.s32 v5, v6;
	[tilespmem:s30+$0xFFFFFF90] =	vst v6  }
0x94: {  	[tilespmem:s30+$0xFFFFFFD0] =	vst v7  }
0x95: {  	v6 =	vld [tilespmem:s29+$0xFFFFFFE0];
	_ =	sdelay $0x4  }
0x96: {  	v6 =	vadd.s32 v4, v6  }
0x97: {  	v7 =	vsub.s32 v5, v6;
	[tilespmem:s30+$0xFFFFFFA0] =	vst v6  }
0x98: {  	[tilespmem:s30+$0xFFFFFFE0] =	vst v7  }
0x99: {  	v6 =	vld [tilespmem:s29+$0xFFFFFFF0];
	_ =	sdelay $0x4  }
0x9a: {  	v6 =	vadd.s32 v4, v6  }
0x9b: {  	v7 =	vsub.s32 v5, v6;
	[tilespmem:s30+$0xFFFFFFB0] =	vst v6  }
0x9c: {  	[tilespmem:s30+$0xFFFFFFF0] =	vst v7  }
0x9d: {  	v6 =	vld [tilespmem:s29+$0x0];
	_ =	sdelay $0x4  }
0x9e: {  	v6 =	vadd.s32 v4, v6  }
0x9f: {  	v7 =	vsub.s32 v5, v6;
	[tilespmem:s30+$0xFFFFFFC0] =	vst v6  }
0xa0: {  	s3 =	simm.s32 $0x1B0;
	s28 =	simm.s32 $0x5C0;
	s31 =	simm.s32 $0x4;
	[tilespmem:s30+$0x0] =	vst v7  }
.LBB2_2:
0xa1: {  	v6 =	vld [tilespmem:s3+$0xFFFFFFD0];
	s31 =	sadd.s32 $0x4, s31  }
0xa2: {  	p0 =	slt.u32 s31, $0x3C;
	_ =	sdelay $0x3  }
0xa3: {  	s30 =	sadd.s32 $0x80, s30;
	v6 =	vadd.s32 v4, v6  }
0xa4: {  	v7 =	vsub.s32 v5, v6;
	[tilespmem:s30+$0xFFFFFF90] =	vst v6  }
0xa5: {  	[tilespmem:s30+$0xFFFFFFD0] =	vst v7  }
0xa6: {  	v6 =	vld [tilespmem:s3+$0xFFFFFFE0];
	_ =	sdelay $0x4  }
0xa7: {  	v6 =	vadd.s32 v4, v6  }
0xa8: {  	v7 =	vsub.s32 v5, v6;
	[tilespmem:s30+$0xFFFFFFA0] =	vst v6  }
0xa9: {  	[tilespmem:s30+$0xFFFFFFE0] =	vst v7  }
0xaa: {  	v6 =	vld [tilespmem:s3+$0xFFFFFFF0];
	_ =	sdelay $0x4  }
0xab: {  	v6 =	vadd.s32 v4, v6  }
0xac: {  	v7 =	vsub.s32 v5, v6;
	[tilespmem:s30+$0xFFFFFFB0] =	vst v6  }
0xad: {  	[tilespmem:s30+$0xFFFFFFF0] =	vst v7  }
0xae: {  	v6 =	vld [tilespmem:s3+$0x0];
	_ =	sdelay $0x2  }
.Ltmp2:
0xaf: {  	(pc) =	sbr.rel @p0 .LBB2_2-.Ltmp2, $4  }
0xb0: {  	_ = 	snop  }
0xb1: {  	v6 =	vadd.s32 v4, v6  }
0xb2: {  	v7 =	vsub.s32 v5, v6;
	[tilespmem:s30+$0xFFFFFFC0] =	vst v6  }
0xb3: {  	s29 =	simm.s32 $0x0;
	s3 =	sadd.s32 $0x40, s3;
	[tilespmem:s30+$0x0] =	vst v7  }
.Ltmp3:
0xb4: {  	(pc) =	sbr.rel .LBB2_4-.Ltmp3, $2  }
0xb5: {  	_ =	sdelay $0x2  }
0xb6: {  	s31 =	simm.s32 $0x1D00;
	s30 =	simm.s32 $0x2D00  }
.LBB2_6:
0xb7: {  	s3 =	sadd.s32 s29, s9;
	s29 =	sadd.s32 $0x2000, s29  }
0xb8: {  	p0 =	sne.s32 s29, $0x10000  }
.Ltmp4:
0xb9: {  	_ = 	snop;
	(pc) =	sbr.rel @!p0 .LBB2_7-.Ltmp4, $3  }
0xba: {  	_ =	sdelay $0x1  }
0xbb: {  	s28 =	sadd.s32 $0x100, s28  }
0xbc: {  	[hbm4b:s3+s5] =	stream.linear.scatter [tilespmem:s0], [sflag:$0x6], $0x8000, $0x38;
	[tilespmem:$0x10D00] =	vst v63  }
.LBB2_4:
0xbd: {  	_ =	swait.ge [sflag:s6], $0x4000  }
0xbe: {  	[sflag:s6] =	ssyncset.done $0x0  }
0xbf: {  	[sflag:s6] =	ssyncadd.s32 $0xFFFFC000  }
0xc0: {  	_ =	swait.ge [sflag:s14], $0x4000  }
0xc1: {  	p0 =	seq.s32 s29, $0x0;
	[sflag:s14] =	ssyncset.done $0x0  }
0xc2: {  	s3 =	simm.s32 @!p0 $0x6;
	[sflag:s14] =	ssyncadd.s32 $0xFFFFC000  }
0xc3: {  	_ =	swait.ge @!p0 [sflag:s3], $0x8000  }
0xc4: {  	[sflag:s3] =	ssyncset.done @!p0 $0x0  }
0xc5: {  	[sflag:s3] =	ssyncadd.s32 @!p0 $0xFFFF8000  }
0xc6: {  	v4 =	vld [tilespmem:s28+$0xFFFFFFC0];
	_ =	sdelay $0x4  }
0xc7: {  	v5 =	vshll.u32 v4, $0x1  }
0xc8: {  	v4 =	vand.u32 $0x7, v4;
	v5 =	vand.u32 $0xFFFFFFF0, v5  }
0xc9: {  	v4 =	vor.u32 v4, v5  }
0xca: {  	v5 =	vperm.xlane v4, v1;
	_ =	sdelay $0x1  }
0xcb: {  	v4 =	vperm.xlane v4, v3;
	v5 =	vadd.s32 v2, v5;
	_ =	sdelay $0x1  }
0xcc: {  	v4 =	vadd.s32 v2, v4;
	_ =	sdelay $0x2  }
0xcd: {  	[tilespmem:s0], [sflag:$0x3] =	stream.indirect_vreg.gather [hbm4b:s4+s5], $0x80, v5, vm0, $0xb8;
	[tilespmem:$0x10D00] =	vst v63  }
0xce: {  	_ = 	snop  }
0xcf: {  	[tilespmem:s1], [sflag:$0x3] =	stream.indirect_vreg.gather [hbm4b:s4+s5], $0x80, v4, vm0, $0xb8;
	[tilespmem:$0x10D00] =	vst v63  }
0xd0: {  	v4 =	vld [tilespmem:s28+$0xFFFFFFD0];
	_ =	sdelay $0x4  }
0xd1: {  	v5 =	vshll.u32 v4, $0x1  }
0xd2: {  	v4 =	vand.u32 $0x7, v4;
	v5 =	vand.u32 $0xFFFFFFF0, v5  }
0xd3: {  	v4 =	vor.u32 v4, v5  }
0xd4: {  	v5 =	vperm.xlane v4, v1;
	_ =	sdelay $0x1  }
0xd5: {  	v4 =	vperm.xlane v4, v3;
	v5 =	vadd.s32 v2, v5;
	_ =	sdelay $0x1  }
0xd6: {  	v4 =	vadd.s32 v2, v4;
	_ =	sdelay $0x2  }
0xd7: {  	[tilespmem:s2], [sflag:$0x3] =	stream.indirect_vreg.gather [hbm4b:s4+s5], $0x80, v5, vm0, $0xb8;
	[tilespmem:$0x10D00] =	vst v63  }
0xd8: {  	_ = 	snop  }
0xd9: {  	[tilespmem:s12], [sflag:$0x3] =	stream.indirect_vreg.gather [hbm4b:s4+s5], $0x80, v4, vm0, $0xb8;
	[tilespmem:$0x10D00] =	vst v63  }
0xda: {  	v4 =	vld [tilespmem:s28+$0xFFFFFFE0];
	_ =	sdelay $0x4  }
0xdb: {  	v5 =	vshll.u32 v4, $0x1  }
0xdc: {  	v4 =	vand.u32 $0x7, v4;
	v5 =	vand.u32 $0xFFFFFFF0, v5  }
0xdd: {  	v4 =	vor.u32 v4, v5  }
0xde: {  	v5 =	vperm.xlane v4, v1;
	_ =	sdelay $0x1  }
0xdf: {  	v4 =	vperm.xlane v4, v3;
	v5 =	vadd.s32 v2, v5;
	_ =	sdelay $0x1  }
0xe0: {  	v4 =	vadd.s32 v2, v4;
	_ =	sdelay $0x2  }
0xe1: {  	[tilespmem:s13], [sflag:$0x3] =	stream.indirect_vreg.gather [hbm4b:s4+s5], $0x80, v5, vm0, $0xb8;
	[tilespmem:$0x10D00] =	vst v63  }
0xe2: {  	_ = 	snop  }
0xe3: {  	[tilespmem:s7], [sflag:$0x3] =	stream.indirect_vreg.gather [hbm4b:s4+s5], $0x80, v4, vm0, $0xb8;
	[tilespmem:$0x10D00] =	vst v63  }
0xe4: {  	v4 =	vld [tilespmem:s28+$0xFFFFFFF0];
	_ =	sdelay $0x4  }
0xe5: {  	v5 =	vshll.u32 v4, $0x1  }
0xe6: {  	v4 =	vand.u32 $0x7, v4;
	v5 =	vand.u32 $0xFFFFFFF0, v5  }
0xe7: {  	v4 =	vor.u32 v4, v5  }
0xe8: {  	v5 =	vperm.xlane v4, v1;
	_ =	sdelay $0x1  }
0xe9: {  	v4 =	vperm.xlane v4, v3;
	v5 =	vadd.s32 v2, v5;
	_ =	sdelay $0x1  }
0xea: {  	v4 =	vadd.s32 v2, v4;
	_ =	sdelay $0x2  }
0xeb: {  	[tilespmem:s8], [sflag:$0x3] =	stream.indirect_vreg.gather [hbm4b:s4+s5], $0x80, v5, vm0, $0xb8;
	[tilespmem:$0x10D00] =	vst v63  }
0xec: {  	_ = 	snop  }
0xed: {  	[tilespmem:s11], [sflag:$0x3] =	stream.indirect_vreg.gather [hbm4b:s4+s5], $0x80, v4, vm0, $0xb8;
	[tilespmem:$0x10D00] =	vst v63  }
0xee: {  	v4 =	vld [tilespmem:s28+$0x0];
	_ =	sdelay $0x4  }
0xef: {  	v5 =	vshll.u32 v4, $0x1  }
0xf0: {  	v4 =	vand.u32 $0x7, v4;
	v5 =	vand.u32 $0xFFFFFFF0, v5  }
0xf1: {  	v4 =	vor.u32 v4, v5  }
0xf2: {  	v5 =	vperm.xlane v4, v1;
	_ =	sdelay $0x1  }
0xf3: {  	v4 =	vperm.xlane v4, v3;
	v5 =	vadd.s32 v2, v5;
	_ =	sdelay $0x1  }
0xf4: {  	v4 =	vadd.s32 v2, v4;
	_ =	sdelay $0x2  }
0xf5: {  	[tilespmem:s17], [sflag:$0x4] =	stream.indirect_vreg.gather [hbm4b:s4+s5], $0x80, v5, vm0, $0xb8;
	[tilespmem:$0x10D00] =	vst v63  }
0xf6: {  	_ = 	snop  }
0xf7: {  	[tilespmem:s18], [sflag:$0x4] =	stream.indirect_vreg.gather [hbm4b:s4+s5], $0x80, v4, vm0, $0xb8;
	[tilespmem:$0x10D00] =	vst v63  }
0xf8: {  	v4 =	vld [tilespmem:s28+$0x10];
	_ =	sdelay $0x4  }
0xf9: {  	v5 =	vshll.u32 v4, $0x1  }
0xfa: {  	v4 =	vand.u32 $0x7, v4;
	v5 =	vand.u32 $0xFFFFFFF0, v5  }
0xfb: {  	v4 =	vor.u32 v4, v5  }
0xfc: {  	v5 =	vperm.xlane v4, v1;
	_ =	sdelay $0x1  }
0xfd: {  	v4 =	vperm.xlane v4, v3;
	v5 =	vadd.s32 v2, v5;
	_ =	sdelay $0x1  }
0xfe: {  	v4 =	vadd.s32 v2, v4;
	_ =	sdelay $0x2  }
0xff: {  	[tilespmem:s19], [sflag:$0x4] =	stream.indirect_vreg.gather [hbm4b:s4+s5], $0x80, v5, vm0, $0xb8;
	[tilespmem:$0x10D00] =	vst v63  }
0x100: {  	_ = 	snop  }
0x101: {  	[tilespmem:s20], [sflag:$0x4] =	stream.indirect_vreg.gather [hbm4b:s4+s5], $0x80, v4, vm0, $0xb8;
	[tilespmem:$0x10D00] =	vst v63  }
0x102: {  	v4 =	vld [tilespmem:s28+$0x20];
	_ =	sdelay $0x4  }
0x103: {  	v5 =	vshll.u32 v4, $0x1  }
0x104: {  	v4 =	vand.u32 $0x7, v4;
	v5 =	vand.u32 $0xFFFFFFF0, v5  }
0x105: {  	v4 =	vor.u32 v4, v5  }
0x106: {  	v5 =	vperm.xlane v4, v1;
	_ =	sdelay $0x1  }
0x107: {  	v4 =	vperm.xlane v4, v3;
	v5 =	vadd.s32 v2, v5;
	_ =	sdelay $0x1  }
0x108: {  	v4 =	vadd.s32 v2, v4;
	_ =	sdelay $0x2  }
0x109: {  	[tilespmem:s21], [sflag:$0x4] =	stream.indirect_vreg.gather [hbm4b:s4+s5], $0x80, v5, vm0, $0xb8;
	[tilespmem:$0x10D00] =	vst v63  }
0x10a: {  	_ = 	snop  }
0x10b: {  	[tilespmem:s22], [sflag:$0x4] =	stream.indirect_vreg.gather [hbm4b:s4+s5], $0x80, v4, vm0, $0xb8;
	[tilespmem:$0x10D00] =	vst v63  }
0x10c: {  	v4 =	vld [tilespmem:s28+$0x30];
	_ =	sdelay $0x4  }
0x10d: {  	v5 =	vshll.u32 v4, $0x1  }
0x10e: {  	v4 =	vand.u32 $0x7, v4;
	v5 =	vand.u32 $0xFFFFFFF0, v5  }
0x10f: {  	v4 =	vor.u32 v4, v5  }
0x110: {  	v5 =	vperm.xlane v4, v1;
	_ =	sdelay $0x1  }
0x111: {  	v4 =	vperm.xlane v4, v3;
	v5 =	vadd.s32 v2, v5;
	_ =	sdelay $0x1  }
0x112: {  	v4 =	vadd.s32 v2, v4;
	_ =	sdelay $0x2  }
0x113: {  	[tilespmem:s23], [sflag:$0x4] =	stream.indirect_vreg.gather [hbm4b:s4+s5], $0x80, v5, vm0, $0xb8;
	[tilespmem:$0x10D00] =	vst v63  }
0x114: {  	_ = 	snop  }
0x115: {  	[tilespmem:s24], [sflag:$0x4] =	stream.indirect_vreg.gather [hbm4b:s4+s5], $0x80, v4, vm0, $0xb8;
	[tilespmem:$0x10D00] =	vst v63  }
0x116: {  	s3 =	sadd.s32 s29, s10  }
0x117: {  	[hbm4b:s3+s5] =	stream.linear.scatter [tilespmem:s16], [sflag:$0x5], $0x8000, $0x38;
	[tilespmem:$0x10D00] =	vst v63  }
0x118: {  	_ =	swait.ge [sflag:s15], $0x4000  }
0x119: {  	[sflag:s15] =	ssyncset.done $0x0  }
0x11a: {  	[sflag:s15] =	ssyncadd.s32 $0xFFFFC000  }
0x11b: {  	p0 =	seq.s32 s29, $0xE000;
	_ =	swait.ge [sflag:s25], $0x4000  }
.Ltmp5:
0x11c: {  	[sflag:s25] =	ssyncset.done $0x0;
	(pc) =	sbr.rel @p0 .LBB2_6-.Ltmp5, $4  }
0x11d: {  	[sflag:s25] =	ssyncadd.s32 $0xFFFFC000  }
0x11e: {  	_ =	swait.ge [sflag:s26], $0x8000  }
0x11f: {  	[sflag:s26] =	ssyncset.done $0x0  }
0x120: {  	[sflag:s26] =	ssyncadd.s32 $0xFFFF8000  }
0x121: {  	v4 =	vld [tilespmem:s28+$0x40];
	_ =	sdelay $0x4  }
0x122: {  	v5 =	vshll.u32 v4, $0x1  }
0x123: {  	v4 =	vand.u32 $0x7, v4;
	v5 =	vand.u32 $0xFFFFFFF0, v5  }
0x124: {  	v4 =	vor.u32 v4, v5  }
0x125: {  	v5 =	vperm.xlane v4, v1;
	_ =	sdelay $0x1  }
0x126: {  	v4 =	vperm.xlane v4, v3;
	v5 =	vadd.s32 v2, v5;
	_ =	sdelay $0x1  }
0x127: {  	v4 =	vadd.s32 v2, v4;
	_ =	sdelay $0x2  }
0x128: {  	[tilespmem:s16], [sflag:$0x1] =	stream.indirect_vreg.gather [hbm4b:s4+s5], $0x80, v5, vm0, $0xb8;
	[tilespmem:$0x10D00] =	vst v63  }
0x129: {  	_ = 	snop  }
0x12a: {  	[tilespmem:s31], [sflag:$0x1] =	stream.indirect_vreg.gather [hbm4b:s4+s5], $0x80, v4, vm0, $0xb8;
	[tilespmem:$0x10D00] =	vst v63  }
0x12b: {  	v4 =	vld [tilespmem:s28+$0x50];
	_ =	sdelay $0x4  }
0x12c: {  	v5 =	vshll.u32 v4, $0x1  }
0x12d: {  	v4 =	vand.u32 $0x7, v4;
	v5 =	vand.u32 $0xFFFFFFF0, v5  }
0x12e: {  	v4 =	vor.u32 v4, v5  }
0x12f: {  	v5 =	vperm.xlane v4, v1;
	_ =	sdelay $0x1  }
0x130: {  	v4 =	vperm.xlane v4, v3;
	v5 =	vadd.s32 v2, v5;
	_ =	sdelay $0x1  }
0x131: {  	v4 =	vadd.s32 v2, v4;
	_ =	sdelay $0x2  }
0x132: {  	[tilespmem:s30], [sflag:$0x1] =	stream.indirect_vreg.gather [hbm4b:s4+s5], $0x80, v5, vm0, $0xb8;
	[tilespmem:$0x10D00] =	vst v63  }
0x133: {  	s3 =	simm.s32 $0x3D00  }
0x134: {  	[tilespmem:s3], [sflag:$0x1] =	stream.indirect_vreg.gather [hbm4b:s4+s5], $0x80, v4, vm0, $0xb8;
	[tilespmem:$0x10D00] =	vst v63  }
0x135: {  	v4 =	vld [tilespmem:s28+$0x60];
	_ =	sdelay $0x4  }
0x136: {  	v5 =	vshll.u32 v4, $0x1  }
0x137: {  	v4 =	vand.u32 $0x7, v4;
	v5 =	vand.u32 $0xFFFFFFF0, v5  }
0x138: {  	v4 =	vor.u32 v4, v5  }
0x139: {  	v5 =	vperm.xlane v4, v1;
	_ =	sdelay $0x1  }
0x13a: {  	v4 =	vperm.xlane v4, v3;
	v5 =	vadd.s32 v2, v5;
	_ =	sdelay $0x1  }
0x13b: {  	v4 =	vadd.s32 v2, v4;
	_ =	sdelay $0x1  }
0x13c: {  	s3 =	simm.s32 $0x4D00  }
0x13d: {  	[tilespmem:s3], [sflag:$0x1] =	stream.indirect_vreg.gather [hbm4b:s4+s5], $0x80, v5, vm0, $0xb8;
	[tilespmem:$0x10D00] =	vst v63  }
0x13e: {  	s3 =	simm.s32 $0x5D00  }
0x13f: {  	[tilespmem:s3], [sflag:$0x1] =	stream.indirect_vreg.gather [hbm4b:s4+s5], $0x80, v4, vm0, $0xb8;
	[tilespmem:$0x10D00] =	vst v63  }
0x140: {  	v4 =	vld [tilespmem:s28+$0x70];
	_ =	sdelay $0x4  }
0x141: {  	v5 =	vshll.u32 v4, $0x1  }
0x142: {  	v4 =	vand.u32 $0x7, v4;
	v5 =	vand.u32 $0xFFFFFFF0, v5  }
0x143: {  	v4 =	vor.u32 v4, v5  }
0x144: {  	v5 =	vperm.xlane v4, v1;
	_ =	sdelay $0x1  }
0x145: {  	v4 =	vperm.xlane v4, v3;
	v5 =	vadd.s32 v2, v5;
	_ =	sdelay $0x1  }
0x146: {  	v4 =	vadd.s32 v2, v4;
	_ =	sdelay $0x1  }
0x147: {  	s3 =	simm.s32 $0x6D00  }
0x148: {  	[tilespmem:s3], [sflag:$0x1] =	stream.indirect_vreg.gather [hbm4b:s4+s5], $0x80, v5, vm0, $0xb8;
	[tilespmem:$0x10D00] =	vst v63  }
0x149: {  	s3 =	simm.s32 $0x7D00  }
0x14a: {  	[tilespmem:s3], [sflag:$0x1] =	stream.indirect_vreg.gather [hbm4b:s4+s5], $0x80, v4, vm0, $0xb8;
	[tilespmem:$0x10D00] =	vst v63  }
0x14b: {  	v4 =	vld [tilespmem:s28+$0x80];
	_ =	sdelay $0x4  }
0x14c: {  	v5 =	vshll.u32 v4, $0x1  }
0x14d: {  	v4 =	vand.u32 $0x7, v4;
	v5 =	vand.u32 $0xFFFFFFF0, v5  }
0x14e: {  	v4 =	vor.u32 v4, v5  }
0x14f: {  	v5 =	vperm.xlane v4, v1;
	_ =	sdelay $0x1  }
0x150: {  	v4 =	vperm.xlane v4, v3;
	v5 =	vadd.s32 v2, v5;
	_ =	sdelay $0x1  }
0x151: {  	v4 =	vadd.s32 v2, v4;
	_ =	sdelay $0x1  }
0x152: {  	s3 =	simm.s32 $0x1500  }
0x153: {  	[tilespmem:s3], [sflag:$0x2] =	stream.indirect_vreg.gather [hbm4b:s4+s5], $0x80, v5, vm0, $0xb8;
	[tilespmem:$0x10D00] =	vst v63  }
0x154: {  	s3 =	simm.s32 $0x2500  }
0x155: {  	[tilespmem:s3], [sflag:$0x2] =	stream.indirect_vreg.gather [hbm4b:s4+s5], $0x80, v4, vm0, $0xb8;
	[tilespmem:$0x10D00] =	vst v63  }
0x156: {  	v4 =	vld [tilespmem:s28+$0x90];
	_ =	sdelay $0x4  }
0x157: {  	v5 =	vshll.u32 v4, $0x1  }
0x158: {  	v4 =	vand.u32 $0x7, v4;
	v5 =	vand.u32 $0xFFFFFFF0, v5  }
0x159: {  	v4 =	vor.u32 v4, v5  }
0x15a: {  	v5 =	vperm.xlane v4, v1;
	_ =	sdelay $0x1  }
0x15b: {  	v4 =	vperm.xlane v4, v3;
	v5 =	vadd.s32 v2, v5;
	_ =	sdelay $0x1  }
0x15c: {  	v4 =	vadd.s32 v2, v4;
	_ =	sdelay $0x1  }
0x15d: {  	s3 =	simm.s32 $0x3500  }
0x15e: {  	[tilespmem:s3], [sflag:$0x2] =	stream.indirect_vreg.gather [hbm4b:s4+s5], $0x80, v5, vm0, $0xb8;
	[tilespmem:$0x10D00] =	vst v63  }
0x15f: {  	s3 =	simm.s32 $0x4500  }
0x160: {  	[tilespmem:s3], [sflag:$0x2] =	stream.indirect_vreg.gather [hbm4b:s4+s5], $0x80, v4, vm0, $0xb8;
	[tilespmem:$0x10D00] =	vst v63  }
0x161: {  	v4 =	vld [tilespmem:s28+$0xA0];
	_ =	sdelay $0x4  }
0x162: {  	v5 =	vshll.u32 v4, $0x1  }
0x163: {  	v4 =	vand.u32 $0x7, v4;
	v5 =	vand.u32 $0xFFFFFFF0, v5  }
0x164: {  	v4 =	vor.u32 v4, v5  }
0x165: {  	v5 =	vperm.xlane v4, v1;
	_ =	sdelay $0x1  }
0x166: {  	v4 =	vperm.xlane v4, v3;
	v5 =	vadd.s32 v2, v5;
	_ =	sdelay $0x1  }
0x167: {  	v4 =	vadd.s32 v2, v4;
	_ =	sdelay $0x1  }
0x168: {  	s3 =	simm.s32 $0x5500  }
0x169: {  	[tilespmem:s3], [sflag:$0x2] =	stream.indirect_vreg.gather [hbm4b:s4+s5], $0x80, v5, vm0, $0xb8;
	[tilespmem:$0x10D00] =	vst v63  }
0x16a: {  	s3 =	simm.s32 $0x6500  }
0x16b: {  	[tilespmem:s3], [sflag:$0x2] =	stream.indirect_vreg.gather [hbm4b:s4+s5], $0x80, v4, vm0, $0xb8;
	[tilespmem:$0x10D00] =	vst v63  }
0x16c: {  	v4 =	vld [tilespmem:s28+$0xB0];
	_ =	sdelay $0x4  }
0x16d: {  	v5 =	vshll.u32 v4, $0x1  }
0x16e: {  	v4 =	vand.u32 $0x7, v4;
	v5 =	vand.u32 $0xFFFFFFF0, v5  }
0x16f: {  	v4 =	vor.u32 v4, v5  }
0x170: {  	v5 =	vperm.xlane v4, v1;
	_ =	sdelay $0x1  }
0x171: {  	v4 =	vperm.xlane v4, v3;
	v5 =	vadd.s32 v2, v5;
	_ =	sdelay $0x1  }
0x172: {  	v4 =	vadd.s32 v2, v4  }
.Ltmp6:
0x173: {  	_ = 	snop;
	(pc) =	sbr.rel .LBB2_6-.Ltmp6, $4  }
0x174: {  	s3 =	simm.s32 $0x7500  }
0x175: {  	[tilespmem:s3], [sflag:$0x2] =	stream.indirect_vreg.gather [hbm4b:s4+s5], $0x80, v5, vm0, $0xb8;
	[tilespmem:$0x10D00] =	vst v63  }
0x176: {  	s3 =	simm.s32 $0x8500  }
0x177: {  	[tilespmem:s3], [sflag:$0x2] =	stream.indirect_vreg.gather [hbm4b:s4+s5], $0x80, v4, vm0, $0xb8;
	[tilespmem:$0x10D00] =	vst v63  }
.LBB2_8:
0x178: {  	_ =	sfence.sel $0x180000  }
0x179: {  	[bflag:$0x0] =	sbarrier.arrive $0xFFFF  }
0x17a: {  	_ =	strace $0x90000047  }
0x17b: {  	s0 =	stileid.u32;
	[bflag:$0x2] =	sbarrier.arrive $0xFFFF  }
0x17c: {  	p0 =	sne.s32 s0, $0x0;
	s0 =	rddreg [dreg:$0x5]  }
0x17d: {  	s0 =	sadd.s32 @!p0 $0x100000, s0  }
0x17e: {  	[sflag:s0] =	ssyncadd.tile.s32 @!p0 $0x1;
	_ =	shalt  }
.Lfunc_end2:
_tile_overlayer_lowered:
.L_overlay_start_2:
0x17f: {  	(tag) =	ssettag $0x2  }
0x180: {  	s0 =	rddreg [dreg:$0x0];
	s2 =	stileid.u32  }
0x181: {  	s1 =	rddreg [dreg:$0x1];
	p0 =	sne.s32 s2, $0x0  }
0x182: {  	s3 =	rddreg [dreg:$0x2];
	[bflag:$0x3] =	sbarrier.arrive $0xFFFF;
	s2 =	simm.s32 @!p0 $0x1C07  }
0x183: {  	[timem:s3], [sflag:s2] =	dma.local @!p0 [hbm:s0], s1  }
0x184: {  	s0 =	simm.s32 @!p0 $0x7  }
0x185: {  	_ =	swait.ge @!p0 [sflag:s0], s1  }
0x186: {  	s1 =	ssub.s32 @!p0 $0x0, s1;
	[sflag:s0] =	ssyncset.done @!p0 $0x0  }
0x187: {  	[sflag:s0] =	ssyncadd.s32 @!p0 s1  }
0x188: {  	[bflag:$0x3] =	sbarrier.arrive $0xFFFF  }
0x189: {  	_ =	shalt  }

</sc_bundles>
